<compile_context>
chip_gen: v7x
topology: tpu7x:2x2x1
jax: 0.10.2.dev20260603
libtpu: 0.0.44.dev20260713+nightly
codegen_flags: <defaults>
</compile_context>

<pallas_src>
import functools

import jax
import jax.numpy as jnp
from jax import lax
from jax.experimental import pallas as pl
from jax.experimental.pallas import tpu as pltpu
from jax.experimental.pallas import tpu_sc as plsc

_B = 16
_SEQ = 4096
_D = 128
_COLS = _SEQ * _D
_TOTAL = _B * _COLS
_NW = 32
_SPAN = _TOTAL // _NW
_CHUNK = 16384
_NCHUNK = _SPAN // _CHUNK
_NBUF = 7


def _sc_copy(flat):
    mesh = plsc.VectorSubcoreMesh(core_axis_name="c", subcore_axis_name="s")

    @functools.partial(
        pl.kernel,
        mesh=mesh,
        out_type=jax.ShapeDtypeStruct((_B, _COLS), jnp.float32),
        scratch_types=(
            [pltpu.VMEM((_CHUNK,), jnp.float32) for _ in range(_NBUF)]
            + [pltpu.SemaphoreType.DMA for _ in range(2 * _NBUF)]
        ),
    )
    def copy_kernel(in_hbm, out_hbm, *refs):
        bufs = refs[:_NBUF]
        sin = refs[_NBUF:2 * _NBUF]
        sout = refs[2 * _NBUF:]
        wid = lax.axis_index("c") * 16 + lax.axis_index("s")
        row = wid // 2
        colbase = (wid % 2) * _SPAN
        base = wid * _SPAN

        d_in = []
        d_out = []
        for i in range(_NCHUNK):
            b = i % _NBUF
            d_in.append(pltpu.make_async_copy(
                in_hbm.at[pl.ds(base + i * _CHUNK, _CHUNK)], bufs[b], sin[b]))
            d_out.append(pltpu.make_async_copy(
                bufs[b], out_hbm.at[row, pl.ds(colbase + i * _CHUNK, _CHUNK)],
                sout[b]))

        for i in range(_NBUF):
            d_in[i].start()
        for i in range(_NCHUNK):
            d_in[i].wait()
            d_out[i].start()
            if i + _NBUF < _NCHUNK:
                d_out[i].wait()
                d_in[i + _NBUF].start()
        for i in range(_NCHUNK - _NBUF, _NCHUNK):
            d_out[i].wait()

    return copy_kernel(flat)


def kernel(features, num_nodes):
    del num_nodes
    return _sc_copy(features.reshape(_TOTAL))

# --- scband reference (transcript-rebuilt; emitter-appended) ---
"""Pipeline reference for scband-spiral-readout-86303072845952 (READ-ONLY COPY).

The authoritative reference and input builder live on the scoring server;
editing this copy changes nothing except your own understanding.
"""

import jax, jax.numpy as jnp
import numpy as np

B = 16
SEQ = 4096
D = 128
READOUT_DIM = SEQ * D  # 524288


def setup_inputs(seed: int = 0) -> dict:
    key = jax.random.key(seed)
    features = jax.random.normal(key, (B * SEQ, D), dtype=jnp.float32)
    # batch_num_nodes: every graph has exactly SEQ nodes (required so that
    # each per-graph flattened feature row has length readout_dim)
    num_nodes = jnp.full((B,), SEQ, dtype=jnp.int32)
    return {"features": features, "num_nodes": num_nodes}


def reference(features, num_nodes):
    # Faithful translation of SpiralReadout.forward:
    # iterate over graphs in the batch, slice out each graph's node features
    # (contiguous block of num_nodes[i] rows), flatten to a single row of
    # size readout_dim, and stack the rows.
    batch = num_nodes.shape[0]
    seg_len = features.shape[0] // batch
    offsets = jnp.concatenate(
        [jnp.zeros((1,), dtype=jnp.int64), jnp.cumsum(num_nodes).astype(jnp.int64)]
    )
    rows = []
    for i in range(batch):
        seg = jax.lax.dynamic_slice_in_dim(features, offsets[i], seg_len, axis=0)
        rows.append(seg.reshape(1, -1))
    spiral_readout = jnp.concatenate(rows, axis=0)
    return spiral_readout

if __name__ == "__main__":
    import jax
    _d = setup_inputs()
    print(jax.jit(kernel)(*tuple(_d.values())))

</pallas_src>

<mosaic_0001>
#map = affine_map<(d0, d1) -> (0)>
#map1 = affine_map<(d0, d1) -> (0, 0)>
module attributes {stable_mosaic.version = 14 : i64} {
  func.func @copy_kernel(%arg0: i32, %arg1: i32, %arg2: memref<8388608xf32, #tpu.memory_space<hbm>>, %arg3: memref<16x524288xf32, #tpu.memory_space<hbm>>, %arg4: memref<16384xf32, #tpu.memory_space<vmem>>, %arg5: memref<16384xf32, #tpu.memory_space<vmem>>, %arg6: memref<16384xf32, #tpu.memory_space<vmem>>, %arg7: memref<16384xf32, #tpu.memory_space<vmem>>, %arg8: memref<16384xf32, #tpu.memory_space<vmem>>, %arg9: memref<16384xf32, #tpu.memory_space<vmem>>, %arg10: memref<16384xf32, #tpu.memory_space<vmem>>, %arg11: memref<!tpu.dma_semaphore, #tpu.memory_space<semaphore_mem>>, %arg12: memref<!tpu.dma_semaphore, #tpu.memory_space<semaphore_mem>>, %arg13: memref<!tpu.dma_semaphore, #tpu.memory_space<semaphore_mem>>, %arg14: memref<!tpu.dma_semaphore, #tpu.memory_space<semaphore_mem>>, %arg15: memref<!tpu.dma_semaphore, #tpu.memory_space<semaphore_mem>>, %arg16: memref<!tpu.dma_semaphore, #tpu.memory_space<semaphore_mem>>, %arg17: memref<!tpu.dma_semaphore, #tpu.memory_space<semaphore_mem>>, %arg18: memref<!tpu.dma_semaphore, #tpu.memory_space<semaphore_mem>>, %arg19: memref<!tpu.dma_semaphore, #tpu.memory_space<semaphore_mem>>, %arg20: memref<!tpu.dma_semaphore, #tpu.memory_space<semaphore_mem>>, %arg21: memref<!tpu.dma_semaphore, #tpu.memory_space<semaphore_mem>>, %arg22: memref<!tpu.dma_semaphore, #tpu.memory_space<semaphore_mem>>, %arg23: memref<!tpu.dma_semaphore, #tpu.memory_space<semaphore_mem>>, %arg24: memref<!tpu.dma_semaphore, #tpu.memory_space<semaphore_mem>>) attributes {dimension_semantics = [#tpu.dimension_semantics<core_parallel>, #tpu.dimension_semantics<subcore_parallel>], iteration_bounds = array<i64: 2, 16>, scalar_prefetch = 0 : i64, scratch_operands = 21 : i64, tpu.core_type = #tpu.core_type<sc_vector_subcore>, window_params = [{transform_indices = #map}, {transform_indices = #map1}]} {
    %mul3A = arith.constant 16 : i32
    %mul3A_0 = arith.muli %arg0, %mul3A : i32
    %add3A = arith.addi %mul3A_0, %arg1 : i32
    %jit3A = arith.constant 2 : i32
    %div3A = arith.divsi %add3A, %jit3A : i32
    %sign3A = arith.constant 0 : i32
    %sign3A_1 = arith.cmpi sgt, %add3A, %sign3A : i32
    %sign3A_2 = arith.extui %sign3A_1 : i1 to i32
    %sign3A_3 = arith.constant 0 : i32
    %sign3A_4 = arith.cmpi slt, %add3A, %sign3A_3 : i32
    %sign3A_5 = arith.extui %sign3A_4 : i1 to i32
    %sign3A_6 = arith.subi %sign3A_2, %sign3A_5 : i32
    %sign3A_7 = arith.constant 0 : i32
    %sign3A_8 = arith.cmpi sgt, %jit3A, %sign3A_7 : i32
    %sign3A_9 = arith.extui %sign3A_8 : i1 to i32
    %sign3A_10 = arith.constant 0 : i32
    %sign3A_11 = arith.cmpi slt, %jit3A, %sign3A_10 : i32
    %sign3A_12 = arith.extui %sign3A_11 : i1 to i32
    %sign3A_13 = arith.subi %sign3A_9, %sign3A_12 : i32
    %ne3A = arith.cmpi ne, %sign3A_6, %sign3A_13 : i32
    %rem3A = arith.remsi %add3A, %jit3A : i32
    %ne3A_14 = arith.constant 0 : i32
    %ne3A_15 = arith.cmpi ne, %rem3A, %ne3A_14 : i32
    %and3A = arith.andi %ne3A, %ne3A_15 : i1
    %sub3A = arith.constant 1 : i32
    %sub3A_16 = arith.subi %div3A, %sub3A : i32
    %select_n3A = arith.select %and3A, %sub3A_16, %div3A : i32
    %jit3A_17 = arith.constant 2 : i32
    %eq3A = arith.constant 0 : i32
    %eq3A_18 = arith.cmpi eq, %jit3A_17, %eq3A : i32
    %jit3A_19 = arith.constant 1 : i32
    %select_n3A_20 = arith.select %eq3A_18, %jit3A_19, %jit3A_17 : i32
    %rem3A_21 = arith.remsi %add3A, %select_n3A_20 : i32
    %ne3A_22 = arith.constant 0 : i32
    %ne3A_23 = arith.cmpi ne, %rem3A_21, %ne3A_22 : i32
    %lt3A = arith.constant 0 : i32
    %lt3A_24 = arith.cmpi slt, %rem3A_21, %lt3A : i32
    %lt3A_25 = arith.constant 0 : i32
    %lt3A_26 = arith.cmpi slt, %select_n3A_20, %lt3A_25 : i32
    %ne3A_27 = arith.xori %lt3A_24, %lt3A_26 : i1
    %and3A_28 = arith.andi %ne3A_27, %ne3A_23 : i1
    %add3A_29 = arith.addi %rem3A_21, %select_n3A_20 : i32
    %select_n3A_30 = arith.select %and3A_28, %add3A_29, %rem3A_21 : i32
    %mul3A_31 = arith.constant 262144 : i32
    %mul3A_32 = arith.muli %select_n3A_30, %mul3A_31 : i32
    %mul3A_33 = arith.constant 262144 : i32
    %mul3A_34 = arith.muli %add3A, %mul3A_33 : i32
    %add3A_35 = arith.constant 0 : i32
    %add3A_36 = arith.addi %mul3A_34, %add3A_35 : i32
    %add3A_37 = arith.constant 0 : i32
    %add3A_38 = arith.addi %mul3A_32, %add3A_37 : i32
    %add3A_39 = arith.constant 16384 : i32
    %add3A_40 = arith.addi %mul3A_34, %add3A_39 : i32
    %add3A_41 = arith.constant 16384 : i32
    %add3A_42 = arith.addi %mul3A_32, %add3A_41 : i32
    %add3A_43 = arith.constant 32768 : i32
    %add3A_44 = arith.addi %mul3A_34, %add3A_43 : i32
    %add3A_45 = arith.constant 32768 : i32
    %add3A_46 = arith.addi %mul3A_32, %add3A_45 : i32
    %add3A_47 = arith.constant 49152 : i32
    %add3A_48 = arith.addi %mul3A_34, %add3A_47 : i32
    %add3A_49 = arith.constant 49152 : i32
    %add3A_50 = arith.addi %mul3A_32, %add3A_49 : i32
    %add3A_51 = arith.constant 65536 : i32
    %add3A_52 = arith.addi %mul3A_34, %add3A_51 : i32
    %add3A_53 = arith.constant 65536 : i32
    %add3A_54 = arith.addi %mul3A_32, %add3A_53 : i32
    %add3A_55 = arith.constant 81920 : i32
    %add3A_56 = arith.addi %mul3A_34, %add3A_55 : i32
    %add3A_57 = arith.constant 81920 : i32
    %add3A_58 = arith.addi %mul3A_32, %add3A_57 : i32
    %add3A_59 = arith.constant 98304 : i32
    %add3A_60 = arith.addi %mul3A_34, %add3A_59 : i32
    %add3A_61 = arith.constant 98304 : i32
    %add3A_62 = arith.addi %mul3A_32, %add3A_61 : i32
    %add3A_63 = arith.constant 114688 : i32
    %add3A_64 = arith.addi %mul3A_34, %add3A_63 : i32
    %add3A_65 = arith.constant 114688 : i32
    %add3A_66 = arith.addi %mul3A_32, %add3A_65 : i32
    %add3A_67 = arith.constant 131072 : i32
    %add3A_68 = arith.addi %mul3A_34, %add3A_67 : i32
    %add3A_69 = arith.constant 131072 : i32
    %add3A_70 = arith.addi %mul3A_32, %add3A_69 : i32
    %add3A_71 = arith.constant 147456 : i32
    %add3A_72 = arith.addi %mul3A_34, %add3A_71 : i32
    %add3A_73 = arith.constant 147456 : i32
    %add3A_74 = arith.addi %mul3A_32, %add3A_73 : i32
    %add3A_75 = arith.constant 163840 : i32
    %add3A_76 = arith.addi %mul3A_34, %add3A_75 : i32
    %add3A_77 = arith.constant 163840 : i32
    %add3A_78 = arith.addi %mul3A_32, %add3A_77 : i32
    %add3A_79 = arith.constant 180224 : i32
    %add3A_80 = arith.addi %mul3A_34, %add3A_79 : i32
    %add3A_81 = arith.constant 180224 : i32
    %add3A_82 = arith.addi %mul3A_32, %add3A_81 : i32
    %add3A_83 = arith.constant 196608 : i32
    %add3A_84 = arith.addi %mul3A_34, %add3A_83 : i32
    %add3A_85 = arith.constant 196608 : i32
    %add3A_86 = arith.addi %mul3A_32, %add3A_85 : i32
    %add3A_87 = arith.constant 212992 : i32
    %add3A_88 = arith.addi %mul3A_34, %add3A_87 : i32
    %add3A_89 = arith.constant 212992 : i32
    %add3A_90 = arith.addi %mul3A_32, %add3A_89 : i32
    %add3A_91 = arith.constant 229376 : i32
    %add3A_92 = arith.addi %mul3A_34, %add3A_91 : i32
    %add3A_93 = arith.constant 229376 : i32
    %add3A_94 = arith.addi %mul3A_32, %add3A_93 : i32
    %add3A_95 = arith.constant 245760 : i32
    %add3A_96 = arith.addi %mul3A_34, %add3A_95 : i32
    %add3A_97 = arith.constant 245760 : i32
    %add3A_98 = arith.addi %mul3A_32, %add3A_97 : i32
    %dma_start3A = tpu.memref_slice %arg2[%add3A_36] : memref<8388608xf32, #tpu.memory_space<hbm>> -> memref<16384xf32, #tpu.memory_space<hbm>>
    %dma_start3A_99 = tpu.memref_slice %arg2[%add3A_36] : memref<8388608xf32, #tpu.memory_space<hbm>> -> memref<16384xf32, #tpu.memory_space<hbm>>
    tpu.enqueue_dma source(%dma_start3A_99 : memref<16384xf32, #tpu.memory_space<hbm>>) target(%arg4 : memref<16384xf32, #tpu.memory_space<vmem>>) target_semaphore(%arg11 : memref<!tpu.dma_semaphore, #tpu.memory_space<semaphore_mem>>)
    %dma_start3A_100 = tpu.memref_slice %arg2[%add3A_40] : memref<8388608xf32, #tpu.memory_space<hbm>> -> memref<16384xf32, #tpu.memory_space<hbm>>
    %dma_start3A_101 = tpu.memref_slice %arg2[%add3A_40] : memref<8388608xf32, #tpu.memory_space<hbm>> -> memref<16384xf32, #tpu.memory_space<hbm>>
    tpu.enqueue_dma source(%dma_start3A_101 : memref<16384xf32, #tpu.memory_space<hbm>>) target(%arg5 : memref<16384xf32, #tpu.memory_space<vmem>>) target_semaphore(%arg12 : memref<!tpu.dma_semaphore, #tpu.memory_space<semaphore_mem>>)
    %dma_start3A_102 = tpu.memref_slice %arg2[%add3A_44] : memref<8388608xf32, #tpu.memory_space<hbm>> -> memref<16384xf32, #tpu.memory_space<hbm>>
    %dma_start3A_103 = tpu.memref_slice %arg2[%add3A_44] : memref<8388608xf32, #tpu.memory_space<hbm>> -> memref<16384xf32, #tpu.memory_space<hbm>>
    tpu.enqueue_dma source(%dma_start3A_103 : memref<16384xf32, #tpu.memory_space<hbm>>) target(%arg6 : memref<16384xf32, #tpu.memory_space<vmem>>) target_semaphore(%arg13 : memref<!tpu.dma_semaphore, #tpu.memory_space<semaphore_mem>>)
    %dma_start3A_104 = tpu.memref_slice %arg2[%add3A_48] : memref<8388608xf32, #tpu.memory_space<hbm>> -> memref<16384xf32, #tpu.memory_space<hbm>>
    %dma_start3A_105 = tpu.memref_slice %arg2[%add3A_48] : memref<8388608xf32, #tpu.memory_space<hbm>> -> memref<16384xf32, #tpu.memory_space<hbm>>
    tpu.enqueue_dma source(%dma_start3A_105 : memref<16384xf32, #tpu.memory_space<hbm>>) target(%arg7 : memref<16384xf32, #tpu.memory_space<vmem>>) target_semaphore(%arg14 : memref<!tpu.dma_semaphore, #tpu.memory_space<semaphore_mem>>)
    %dma_start3A_106 = tpu.memref_slice %arg2[%add3A_52] : memref<8388608xf32, #tpu.memory_space<hbm>> -> memref<16384xf32, #tpu.memory_space<hbm>>
    %dma_start3A_107 = tpu.memref_slice %arg2[%add3A_52] : memref<8388608xf32, #tpu.memory_space<hbm>> -> memref<16384xf32, #tpu.memory_space<hbm>>
    tpu.enqueue_dma source(%dma_start3A_107 : memref<16384xf32, #tpu.memory_space<hbm>>) target(%arg8 : memref<16384xf32, #tpu.memory_space<vmem>>) target_semaphore(%arg15 : memref<!tpu.dma_semaphore, #tpu.memory_space<semaphore_mem>>)
    %dma_start3A_108 = tpu.memref_slice %arg2[%add3A_56] : memref<8388608xf32, #tpu.memory_space<hbm>> -> memref<16384xf32, #tpu.memory_space<hbm>>
    %dma_start3A_109 = tpu.memref_slice %arg2[%add3A_56] : memref<8388608xf32, #tpu.memory_space<hbm>> -> memref<16384xf32, #tpu.memory_space<hbm>>
    tpu.enqueue_dma source(%dma_start3A_109 : memref<16384xf32, #tpu.memory_space<hbm>>) target(%arg9 : memref<16384xf32, #tpu.memory_space<vmem>>) target_semaphore(%arg16 : memref<!tpu.dma_semaphore, #tpu.memory_space<semaphore_mem>>)
    %dma_start3A_110 = tpu.memref_slice %arg2[%add3A_60] : memref<8388608xf32, #tpu.memory_space<hbm>> -> memref<16384xf32, #tpu.memory_space<hbm>>
    %dma_start3A_111 = tpu.memref_slice %arg2[%add3A_60] : memref<8388608xf32, #tpu.memory_space<hbm>> -> memref<16384xf32, #tpu.memory_space<hbm>>
    tpu.enqueue_dma source(%dma_start3A_111 : memref<16384xf32, #tpu.memory_space<hbm>>) target(%arg10 : memref<16384xf32, #tpu.memory_space<vmem>>) target_semaphore(%arg17 : memref<!tpu.dma_semaphore, #tpu.memory_space<semaphore_mem>>)
    %dma_wait3A = tpu.memref_slice %arg2[%add3A_36] : memref<8388608xf32, #tpu.memory_space<hbm>> -> memref<16384xf32, #tpu.memory_space<hbm>>
    %dma_wait3A_112 = tpu.memref_slice %arg2[%add3A_36] : memref<8388608xf32, #tpu.memory_space<hbm>> -> memref<16384xf32, #tpu.memory_space<hbm>>
    tpu.wait_dma2 semaphore(%arg11 : memref<!tpu.dma_semaphore, #tpu.memory_space<semaphore_mem>>) src(%dma_wait3A_112 : memref<16384xf32, #tpu.memory_space<hbm>>) dst(%arg4 : memref<16384xf32, #tpu.memory_space<vmem>>)
    %dma_start3A_113 = tpu.memref_slice %arg3[%select_n3A, %add3A_38] : memref<16x524288xf32, #tpu.memory_space<hbm>> -> memref<1x16384xf32, #tpu.memory_space<hbm>>
    %dma_start3A_114 = tpu.memref_squeeze %dma_start3A_113 : memref<1x16384xf32, #tpu.memory_space<hbm>> -> memref<16384xf32, #tpu.memory_space<hbm>>
    %dma_start3A_115 = tpu.memref_slice %arg3[%select_n3A, %add3A_38] : memref<16x524288xf32, #tpu.memory_space<hbm>> -> memref<1x16384xf32, #tpu.memory_space<hbm>>
    %dma_start3A_116 = tpu.memref_squeeze %dma_start3A_115 : memref<1x16384xf32, #tpu.memory_space<hbm>> -> memref<16384xf32, #tpu.memory_space<hbm>>
    tpu.enqueue_dma source(%arg4 : memref<16384xf32, #tpu.memory_space<vmem>>) target(%dma_start3A_116 : memref<16384xf32, #tpu.memory_space<hbm>>) target_semaphore(%arg18 : memref<!tpu.dma_semaphore, #tpu.memory_space<semaphore_mem>>)
    %dma_wait3A_117 = tpu.memref_slice %arg3[%select_n3A, %add3A_38] : memref<16x524288xf32, #tpu.memory_space<hbm>> -> memref<1x16384xf32, #tpu.memory_space<hbm>>
    %dma_wait3A_118 = tpu.memref_squeeze %dma_wait3A_117 : memref<1x16384xf32, #tpu.memory_space<hbm>> -> memref<16384xf32, #tpu.memory_space<hbm>>
    %dma_wait3A_119 = tpu.memref_slice %arg3[%select_n3A, %add3A_38] : memref<16x524288xf32, #tpu.memory_space<hbm>> -> memref<1x16384xf32, #tpu.memory_space<hbm>>
    %dma_wait3A_120 = tpu.memref_squeeze %dma_wait3A_119 : memref<1x16384xf32, #tpu.memory_space<hbm>> -> memref<16384xf32, #tpu.memory_space<hbm>>
    tpu.wait_dma2 semaphore(%arg18 : memref<!tpu.dma_semaphore, #tpu.memory_space<semaphore_mem>>) src(%arg4 : memref<16384xf32, #tpu.memory_space<vmem>>) dst(%dma_wait3A_120 : memref<16384xf32, #tpu.memory_space<hbm>>)
    %dma_start3A_121 = tpu.memref_slice %arg2[%add3A_64] : memref<8388608xf32, #tpu.memory_space<hbm>> -> memref<16384xf32, #tpu.memory_space<hbm>>
    %dma_start3A_122 = tpu.memref_slice %arg2[%add3A_64] : memref<8388608xf32, #tpu.memory_space<hbm>> -> memref<16384xf32, #tpu.memory_space<hbm>>
    tpu.enqueue_dma source(%dma_start3A_122 : memref<16384xf32, #tpu.memory_space<hbm>>) target(%arg4 : memref<16384xf32, #tpu.memory_space<vmem>>) target_semaphore(%arg11 : memref<!tpu.dma_semaphore, #tpu.memory_space<semaphore_mem>>)
    %dma_wait3A_123 = tpu.memref_slice %arg2[%add3A_40] : memref<8388608xf32, #tpu.memory_space<hbm>> -> memref<16384xf32, #tpu.memory_space<hbm>>
    %dma_wait3A_124 = tpu.memref_slice %arg2[%add3A_40] : memref<8388608xf32, #tpu.memory_space<hbm>> -> memref<16384xf32, #tpu.memory_space<hbm>>
    tpu.wait_dma2 semaphore(%arg12 : memref<!tpu.dma_semaphore, #tpu.memory_space<semaphore_mem>>) src(%dma_wait3A_124 : memref<16384xf32, #tpu.memory_space<hbm>>) dst(%arg5 : memref<16384xf32, #tpu.memory_space<vmem>>)
    %dma_start3A_125 = tpu.memref_slice %arg3[%select_n3A, %add3A_42] : memref<16x524288xf32, #tpu.memory_space<hbm>> -> memref<1x16384xf32, #tpu.memory_space<hbm>>
    %dma_start3A_126 = tpu.memref_squeeze %dma_start3A_125 : memref<1x16384xf32, #tpu.memory_space<hbm>> -> memref<16384xf32, #tpu.memory_space<hbm>>
    %dma_start3A_127 = tpu.memref_slice %arg3[%select_n3A, %add3A_42] : memref<16x524288xf32, #tpu.memory_space<hbm>> -> memref<1x16384xf32, #tpu.memory_space<hbm>>
    %dma_start3A_128 = tpu.memref_squeeze %dma_start3A_127 : memref<1x16384xf32, #tpu.memory_space<hbm>> -> memref<16384xf32, #tpu.memory_space<hbm>>
    tpu.enqueue_dma source(%arg5 : memref<16384xf32, #tpu.memory_space<vmem>>) target(%dma_start3A_128 : memref<16384xf32, #tpu.memory_space<hbm>>) target_semaphore(%arg19 : memref<!tpu.dma_semaphore, #tpu.memory_space<semaphore_mem>>)
    %dma_wait3A_129 = tpu.memref_slice %arg3[%select_n3A, %add3A_42] : memref<16x524288xf32, #tpu.memory_space<hbm>> -> memref<1x16384xf32, #tpu.memory_space<hbm>>
    %dma_wait3A_130 = tpu.memref_squeeze %dma_wait3A_129 : memref<1x16384xf32, #tpu.memory_space<hbm>> -> memref<16384xf32, #tpu.memory_space<hbm>>
    %dma_wait3A_131 = tpu.memref_slice %arg3[%select_n3A, %add3A_42] : memref<16x524288xf32, #tpu.memory_space<hbm>> -> memref<1x16384xf32, #tpu.memory_space<hbm>>
    %dma_wait3A_132 = tpu.memref_squeeze %dma_wait3A_131 : memref<1x16384xf32, #tpu.memory_space<hbm>> -> memref<16384xf32, #tpu.memory_space<hbm>>
    tpu.wait_dma2 semaphore(%arg19 : memref<!tpu.dma_semaphore, #tpu.memory_space<semaphore_mem>>) src(%arg5 : memref<16384xf32, #tpu.memory_space<vmem>>) dst(%dma_wait3A_132 : memref<16384xf32, #tpu.memory_space<hbm>>)
    %dma_start3A_133 = tpu.memref_slice %arg2[%add3A_68] : memref<8388608xf32, #tpu.memory_space<hbm>> -> memref<16384xf32, #tpu.memory_space<hbm>>
    %dma_start3A_134 = tpu.memref_slice %arg2[%add3A_68] : memref<8388608xf32, #tpu.memory_space<hbm>> -> memref<16384xf32, #tpu.memory_space<hbm>>
    tpu.enqueue_dma source(%dma_start3A_134 : memref<16384xf32, #tpu.memory_space<hbm>>) target(%arg5 : memref<16384xf32, #tpu.memory_space<vmem>>) target_semaphore(%arg12 : memref<!tpu.dma_semaphore, #tpu.memory_space<semaphore_mem>>)
    %dma_wait3A_135 = tpu.memref_slice %arg2[%add3A_44] : memref<8388608xf32, #tpu.memory_space<hbm>> -> memref<16384xf32, #tpu.memory_space<hbm>>
    %dma_wait3A_136 = tpu.memref_slice %arg2[%add3A_44] : memref<8388608xf32, #tpu.memory_space<hbm>> -> memref<16384xf32, #tpu.memory_space<hbm>>
    tpu.wait_dma2 semaphore(%arg13 : memref<!tpu.dma_semaphore, #tpu.memory_space<semaphore_mem>>) src(%dma_wait3A_136 : memref<16384xf32, #tpu.memory_space<hbm>>) dst(%arg6 : memref<16384xf32, #tpu.memory_space<vmem>>)
    %dma_start3A_137 = tpu.memref_slice %arg3[%select_n3A, %add3A_46] : memref<16x524288xf32, #tpu.memory_space<hbm>> -> memref<1x16384xf32, #tpu.memory_space<hbm>>
    %dma_start3A_138 = tpu.memref_squeeze %dma_start3A_137 : memref<1x16384xf32, #tpu.memory_space<hbm>> -> memref<16384xf32, #tpu.memory_space<hbm>>
    %dma_start3A_139 = tpu.memref_slice %arg3[%select_n3A, %add3A_46] : memref<16x524288xf32, #tpu.memory_space<hbm>> -> memref<1x16384xf32, #tpu.memory_space<hbm>>
    %dma_start3A_140 = tpu.memref_squeeze %dma_start3A_139 : memref<1x16384xf32, #tpu.memory_space<hbm>> -> memref<16384xf32, #tpu.memory_space<hbm>>
    tpu.enqueue_dma source(%arg6 : memref<16384xf32, #tpu.memory_space<vmem>>) target(%dma_start3A_140 : memref<16384xf32, #tpu.memory_space<hbm>>) target_semaphore(%arg20 : memref<!tpu.dma_semaphore, #tpu.memory_space<semaphore_mem>>)
    %dma_wait3A_141 = tpu.memref_slice %arg3[%select_n3A, %add3A_46] : memref<16x524288xf32, #tpu.memory_space<hbm>> -> memref<1x16384xf32, #tpu.memory_space<hbm>>
    %dma_wait3A_142 = tpu.memref_squeeze %dma_wait3A_141 : memref<1x16384xf32, #tpu.memory_space<hbm>> -> memref<16384xf32, #tpu.memory_space<hbm>>
    %dma_wait3A_143 = tpu.memref_slice %arg3[%select_n3A, %add3A_46] : memref<16x524288xf32, #tpu.memory_space<hbm>> -> memref<1x16384xf32, #tpu.memory_space<hbm>>
    %dma_wait3A_144 = tpu.memref_squeeze %dma_wait3A_143 : memref<1x16384xf32, #tpu.memory_space<hbm>> -> memref<16384xf32, #tpu.memory_space<hbm>>
    tpu.wait_dma2 semaphore(%arg20 : memref<!tpu.dma_semaphore, #tpu.memory_space<semaphore_mem>>) src(%arg6 : memref<16384xf32, #tpu.memory_space<vmem>>) dst(%dma_wait3A_144 : memref<16384xf32, #tpu.memory_space<hbm>>)
    %dma_start3A_145 = tpu.memref_slice %arg2[%add3A_72] : memref<8388608xf32, #tpu.memory_space<hbm>> -> memref<16384xf32, #tpu.memory_space<hbm>>
    %dma_start3A_146 = tpu.memref_slice %arg2[%add3A_72] : memref<8388608xf32, #tpu.memory_space<hbm>> -> memref<16384xf32, #tpu.memory_space<hbm>>
    tpu.enqueue_dma source(%dma_start3A_146 : memref<16384xf32, #tpu.memory_space<hbm>>) target(%arg6 : memref<16384xf32, #tpu.memory_space<vmem>>) target_semaphore(%arg13 : memref<!tpu.dma_semaphore, #tpu.memory_space<semaphore_mem>>)
    %dma_wait3A_147 = tpu.memref_slice %arg2[%add3A_48] : memref<8388608xf32, #tpu.memory_space<hbm>> -> memref<16384xf32, #tpu.memory_space<hbm>>
    %dma_wait3A_148 = tpu.memref_slice %arg2[%add3A_48] : memref<8388608xf32, #tpu.memory_space<hbm>> -> memref<16384xf32, #tpu.memory_space<hbm>>
    tpu.wait_dma2 semaphore(%arg14 : memref<!tpu.dma_semaphore, #tpu.memory_space<semaphore_mem>>) src(%dma_wait3A_148 : memref<16384xf32, #tpu.memory_space<hbm>>) dst(%arg7 : memref<16384xf32, #tpu.memory_space<vmem>>)
    %dma_start3A_149 = tpu.memref_slice %arg3[%select_n3A, %add3A_50] : memref<16x524288xf32, #tpu.memory_space<hbm>> -> memref<1x16384xf32, #tpu.memory_space<hbm>>
    %dma_start3A_150 = tpu.memref_squeeze %dma_start3A_149 : memref<1x16384xf32, #tpu.memory_space<hbm>> -> memref<16384xf32, #tpu.memory_space<hbm>>
    %dma_start3A_151 = tpu.memref_slice %arg3[%select_n3A, %add3A_50] : memref<16x524288xf32, #tpu.memory_space<hbm>> -> memref<1x16384xf32, #tpu.memory_space<hbm>>
    %dma_start3A_152 = tpu.memref_squeeze %dma_start3A_151 : memref<1x16384xf32, #tpu.memory_space<hbm>> -> memref<16384xf32, #tpu.memory_space<hbm>>
    tpu.enqueue_dma source(%arg7 : memref<16384xf32, #tpu.memory_space<vmem>>) target(%dma_start3A_152 : memref<16384xf32, #tpu.memory_space<hbm>>) target_semaphore(%arg21 : memref<!tpu.dma_semaphore, #tpu.memory_space<semaphore_mem>>)
    %dma_wait3A_153 = tpu.memref_slice %arg3[%select_n3A, %add3A_50] : memref<16x524288xf32, #tpu.memory_space<hbm>> -> memref<1x16384xf32, #tpu.memory_space<hbm>>
    %dma_wait3A_154 = tpu.memref_squeeze %dma_wait3A_153 : memref<1x16384xf32, #tpu.memory_space<hbm>> -> memref<16384xf32, #tpu.memory_space<hbm>>
    %dma_wait3A_155 = tpu.memref_slice %arg3[%select_n3A, %add3A_50] : memref<16x524288xf32, #tpu.memory_space<hbm>> -> memref<1x16384xf32, #tpu.memory_space<hbm>>
    %dma_wait3A_156 = tpu.memref_squeeze %dma_wait3A_155 : memref<1x16384xf32, #tpu.memory_space<hbm>> -> memref<16384xf32, #tpu.memory_space<hbm>>
    tpu.wait_dma2 semaphore(%arg21 : memref<!tpu.dma_semaphore, #tpu.memory_space<semaphore_mem>>) src(%arg7 : memref<16384xf32, #tpu.memory_space<vmem>>) dst(%dma_wait3A_156 : memref<16384xf32, #tpu.memory_space<hbm>>)
    %dma_start3A_157 = tpu.memref_slice %arg2[%add3A_76] : memref<8388608xf32, #tpu.memory_space<hbm>> -> memref<16384xf32, #tpu.memory_space<hbm>>
    %dma_start3A_158 = tpu.memref_slice %arg2[%add3A_76] : memref<8388608xf32, #tpu.memory_space<hbm>> -> memref<16384xf32, #tpu.memory_space<hbm>>
    tpu.enqueue_dma source(%dma_start3A_158 : memref<16384xf32, #tpu.memory_space<hbm>>) target(%arg7 : memref<16384xf32, #tpu.memory_space<vmem>>) target_semaphore(%arg14 : memref<!tpu.dma_semaphore, #tpu.memory_space<semaphore_mem>>)
    %dma_wait3A_159 = tpu.memref_slice %arg2[%add3A_52] : memref<8388608xf32, #tpu.memory_space<hbm>> -> memref<16384xf32, #tpu.memory_space<hbm>>
    %dma_wait3A_160 = tpu.memref_slice %arg2[%add3A_52] : memref<8388608xf32, #tpu.memory_space<hbm>> -> memref<16384xf32, #tpu.memory_space<hbm>>
    tpu.wait_dma2 semaphore(%arg15 : memref<!tpu.dma_semaphore, #tpu.memory_space<semaphore_mem>>) src(%dma_wait3A_160 : memref<16384xf32, #tpu.memory_space<hbm>>) dst(%arg8 : memref<16384xf32, #tpu.memory_space<vmem>>)
    %dma_start3A_161 = tpu.memref_slice %arg3[%select_n3A, %add3A_54] : memref<16x524288xf32, #tpu.memory_space<hbm>> -> memref<1x16384xf32, #tpu.memory_space<hbm>>
    %dma_start3A_162 = tpu.memref_squeeze %dma_start3A_161 : memref<1x16384xf32, #tpu.memory_space<hbm>> -> memref<16384xf32, #tpu.memory_space<hbm>>
    %dma_start3A_163 = tpu.memref_slice %arg3[%select_n3A, %add3A_54] : memref<16x524288xf32, #tpu.memory_space<hbm>> -> memref<1x16384xf32, #tpu.memory_space<hbm>>
    %dma_start3A_164 = tpu.memref_squeeze %dma_start3A_163 : memref<1x16384xf32, #tpu.memory_space<hbm>> -> memref<16384xf32, #tpu.memory_space<hbm>>
    tpu.enqueue_dma source(%arg8 : memref<16384xf32, #tpu.memory_space<vmem>>) target(%dma_start3A_164 : memref<16384xf32, #tpu.memory_space<hbm>>) target_semaphore(%arg22 : memref<!tpu.dma_semaphore, #tpu.memory_space<semaphore_mem>>)
    %dma_wait3A_165 = tpu.memref_slice %arg3[%select_n3A, %add3A_54] : memref<16x524288xf32, #tpu.memory_space<hbm>> -> memref<1x16384xf32, #tpu.memory_space<hbm>>
    %dma_wait3A_166 = tpu.memref_squeeze %dma_wait3A_165 : memref<1x16384xf32, #tpu.memory_space<hbm>> -> memref<16384xf32, #tpu.memory_space<hbm>>
    %dma_wait3A_167 = tpu.memref_slice %arg3[%select_n3A, %add3A_54] : memref<16x524288xf32, #tpu.memory_space<hbm>> -> memref<1x16384xf32, #tpu.memory_space<hbm>>
    %dma_wait3A_168 = tpu.memref_squeeze %dma_wait3A_167 : memref<1x16384xf32, #tpu.memory_space<hbm>> -> memref<16384xf32, #tpu.memory_space<hbm>>
    tpu.wait_dma2 semaphore(%arg22 : memref<!tpu.dma_semaphore, #tpu.memory_space<semaphore_mem>>) src(%arg8 : memref<16384xf32, #tpu.memory_space<vmem>>) dst(%dma_wait3A_168 : memref<16384xf32, #tpu.memory_space<hbm>>)
    %dma_start3A_169 = tpu.memref_slice %arg2[%add3A_80] : memref<8388608xf32, #tpu.memory_space<hbm>> -> memref<16384xf32, #tpu.memory_space<hbm>>
    %dma_start3A_170 = tpu.memref_slice %arg2[%add3A_80] : memref<8388608xf32, #tpu.memory_space<hbm>> -> memref<16384xf32, #tpu.memory_space<hbm>>
    tpu.enqueue_dma source(%dma_start3A_170 : memref<16384xf32, #tpu.memory_space<hbm>>) target(%arg8 : memref<16384xf32, #tpu.memory_space<vmem>>) target_semaphore(%arg15 : memref<!tpu.dma_semaphore, #tpu.memory_space<semaphore_mem>>)
    %dma_wait3A_171 = tpu.memref_slice %arg2[%add3A_56] : memref<8388608xf32, #tpu.memory_space<hbm>> -> memref<16384xf32, #tpu.memory_space<hbm>>
    %dma_wait3A_172 = tpu.memref_slice %arg2[%add3A_56] : memref<8388608xf32, #tpu.memory_space<hbm>> -> memref<16384xf32, #tpu.memory_space<hbm>>
    tpu.wait_dma2 semaphore(%arg16 : memref<!tpu.dma_semaphore, #tpu.memory_space<semaphore_mem>>) src(%dma_wait3A_172 : memref<16384xf32, #tpu.memory_space<hbm>>) dst(%arg9 : memref<16384xf32, #tpu.memory_space<vmem>>)
    %dma_start3A_173 = tpu.memref_slice %arg3[%select_n3A, %add3A_58] : memref<16x524288xf32, #tpu.memory_space<hbm>> -> memref<1x16384xf32, #tpu.memory_space<hbm>>
    %dma_start3A_174 = tpu.memref_squeeze %dma_start3A_173 : memref<1x16384xf32, #tpu.memory_space<hbm>> -> memref<16384xf32, #tpu.memory_space<hbm>>
    %dma_start3A_175 = tpu.memref_slice %arg3[%select_n3A, %add3A_58] : memref<16x524288xf32, #tpu.memory_space<hbm>> -> memref<1x16384xf32, #tpu.memory_space<hbm>>
    %dma_start3A_176 = tpu.memref_squeeze %dma_start3A_175 : memref<1x16384xf32, #tpu.memory_space<hbm>> -> memref<16384xf32, #tpu.memory_space<hbm>>
    tpu.enqueue_dma source(%arg9 : memref<16384xf32, #tpu.memory_space<vmem>>) target(%dma_start3A_176 : memref<16384xf32, #tpu.memory_space<hbm>>) target_semaphore(%arg23 : memref<!tpu.dma_semaphore, #tpu.memory_space<semaphore_mem>>)
    %dma_wait3A_177 = tpu.memref_slice %arg3[%select_n3A, %add3A_58] : memref<16x524288xf32, #tpu.memory_space<hbm>> -> memref<1x16384xf32, #tpu.memory_space<hbm>>
    %dma_wait3A_178 = tpu.memref_squeeze %dma_wait3A_177 : memref<1x16384xf32, #tpu.memory_space<hbm>> -> memref<16384xf32, #tpu.memory_space<hbm>>
    %dma_wait3A_179 = tpu.memref_slice %arg3[%select_n3A, %add3A_58] : memref<16x524288xf32, #tpu.memory_space<hbm>> -> memref<1x16384xf32, #tpu.memory_space<hbm>>
    %dma_wait3A_180 = tpu.memref_squeeze %dma_wait3A_179 : memref<1x16384xf32, #tpu.memory_space<hbm>> -> memref<16384xf32, #tpu.memory_space<hbm>>
    tpu.wait_dma2 semaphore(%arg23 : memref<!tpu.dma_semaphore, #tpu.memory_space<semaphore_mem>>) src(%arg9 : memref<16384xf32, #tpu.memory_space<vmem>>) dst(%dma_wait3A_180 : memref<16384xf32, #tpu.memory_space<hbm>>)
    %dma_start3A_181 = tpu.memref_slice %arg2[%add3A_84] : memref<8388608xf32, #tpu.memory_space<hbm>> -> memref<16384xf32, #tpu.memory_space<hbm>>
    %dma_start3A_182 = tpu.memref_slice %arg2[%add3A_84] : memref<8388608xf32, #tpu.memory_space<hbm>> -> memref<16384xf32, #tpu.memory_space<hbm>>
    tpu.enqueue_dma source(%dma_start3A_182 : memref<16384xf32, #tpu.memory_space<hbm>>) target(%arg9 : memref<16384xf32, #tpu.memory_space<vmem>>) target_semaphore(%arg16 : memref<!tpu.dma_semaphore, #tpu.memory_space<semaphore_mem>>)
    %dma_wait3A_183 = tpu.memref_slice %arg2[%add3A_60] : memref<8388608xf32, #tpu.memory_space<hbm>> -> memref<16384xf32, #tpu.memory_space<hbm>>
    %dma_wait3A_184 = tpu.memref_slice %arg2[%add3A_60] : memref<8388608xf32, #tpu.memory_space<hbm>> -> memref<16384xf32, #tpu.memory_space<hbm>>
    tpu.wait_dma2 semaphore(%arg17 : memref<!tpu.dma_semaphore, #tpu.memory_space<semaphore_mem>>) src(%dma_wait3A_184 : memref<16384xf32, #tpu.memory_space<hbm>>) dst(%arg10 : memref<16384xf32, #tpu.memory_space<vmem>>)
    %dma_start3A_185 = tpu.memref_slice %arg3[%select_n3A, %add3A_62] : memref<16x524288xf32, #tpu.memory_space<hbm>> -> memref<1x16384xf32, #tpu.memory_space<hbm>>
    %dma_start3A_186 = tpu.memref_squeeze %dma_start3A_185 : memref<1x16384xf32, #tpu.memory_space<hbm>> -> memref<16384xf32, #tpu.memory_space<hbm>>
    %dma_start3A_187 = tpu.memref_slice %arg3[%select_n3A, %add3A_62] : memref<16x524288xf32, #tpu.memory_space<hbm>> -> memref<1x16384xf32, #tpu.memory_space<hbm>>
    %dma_start3A_188 = tpu.memref_squeeze %dma_start3A_187 : memref<1x16384xf32, #tpu.memory_space<hbm>> -> memref<16384xf32, #tpu.memory_space<hbm>>
    tpu.enqueue_dma source(%arg10 : memref<16384xf32, #tpu.memory_space<vmem>>) target(%dma_start3A_188 : memref<16384xf32, #tpu.memory_space<hbm>>) target_semaphore(%arg24 : memref<!tpu.dma_semaphore, #tpu.memory_space<semaphore_mem>>)
    %dma_wait3A_189 = tpu.memref_slice %arg3[%select_n3A, %add3A_62] : memref<16x524288xf32, #tpu.memory_space<hbm>> -> memref<1x16384xf32, #tpu.memory_space<hbm>>
    %dma_wait3A_190 = tpu.memref_squeeze %dma_wait3A_189 : memref<1x16384xf32, #tpu.memory_space<hbm>> -> memref<16384xf32, #tpu.memory_space<hbm>>
    %dma_wait3A_191 = tpu.memref_slice %arg3[%select_n3A, %add3A_62] : memref<16x524288xf32, #tpu.memory_space<hbm>> -> memref<1x16384xf32, #tpu.memory_space<hbm>>
    %dma_wait3A_192 = tpu.memref_squeeze %dma_wait3A_191 : memref<1x16384xf32, #tpu.memory_space<hbm>> -> memref<16384xf32, #tpu.memory_space<hbm>>
    tpu.wait_dma2 semaphore(%arg24 : memref<!tpu.dma_semaphore, #tpu.memory_space<semaphore_mem>>) src(%arg10 : memref<16384xf32, #tpu.memory_space<vmem>>) dst(%dma_wait3A_192 : memref<16384xf32, #tpu.memory_space<hbm>>)
    %dma_start3A_193 = tpu.memref_slice %arg2[%add3A_88] : memref<8388608xf32, #tpu.memory_space<hbm>> -> memref<16384xf32, #tpu.memory_space<hbm>>
    %dma_start3A_194 = tpu.memref_slice %arg2[%add3A_88] : memref<8388608xf32, #tpu.memory_space<hbm>> -> memref<16384xf32, #tpu.memory_space<hbm>>
    tpu.enqueue_dma source(%dma_start3A_194 : memref<16384xf32, #tpu.memory_space<hbm>>) target(%arg10 : memref<16384xf32, #tpu.memory_space<vmem>>) target_semaphore(%arg17 : memref<!tpu.dma_semaphore, #tpu.memory_space<semaphore_mem>>)
    %dma_wait3A_195 = tpu.memref_slice %arg2[%add3A_64] : memref<8388608xf32, #tpu.memory_space<hbm>> -> memref<16384xf32, #tpu.memory_space<hbm>>
    %dma_wait3A_196 = tpu.memref_slice %arg2[%add3A_64] : memref<8388608xf32, #tpu.memory_space<hbm>> -> memref<16384xf32, #tpu.memory_space<hbm>>
    tpu.wait_dma2 semaphore(%arg11 : memref<!tpu.dma_semaphore, #tpu.memory_space<semaphore_mem>>) src(%dma_wait3A_196 : memref<16384xf32, #tpu.memory_space<hbm>>) dst(%arg4 : memref<16384xf32, #tpu.memory_space<vmem>>)
    %dma_start3A_197 = tpu.memref_slice %arg3[%select_n3A, %add3A_66] : memref<16x524288xf32, #tpu.memory_space<hbm>> -> memref<1x16384xf32, #tpu.memory_space<hbm>>
    %dma_start3A_198 = tpu.memref_squeeze %dma_start3A_197 : memref<1x16384xf32, #tpu.memory_space<hbm>> -> memref<16384xf32, #tpu.memory_space<hbm>>
    %dma_start3A_199 = tpu.memref_slice %arg3[%select_n3A, %add3A_66] : memref<16x524288xf32, #tpu.memory_space<hbm>> -> memref<1x16384xf32, #tpu.memory_space<hbm>>
    %dma_start3A_200 = tpu.memref_squeeze %dma_start3A_199 : memref<1x16384xf32, #tpu.memory_space<hbm>> -> memref<16384xf32, #tpu.memory_space<hbm>>
    tpu.enqueue_dma source(%arg4 : memref<16384xf32, #tpu.memory_space<vmem>>) target(%dma_start3A_200 : memref<16384xf32, #tpu.memory_space<hbm>>) target_semaphore(%arg18 : memref<!tpu.dma_semaphore, #tpu.memory_space<semaphore_mem>>)
    %dma_wait3A_201 = tpu.memref_slice %arg3[%select_n3A, %add3A_66] : memref<16x524288xf32, #tpu.memory_space<hbm>> -> memref<1x16384xf32, #tpu.memory_space<hbm>>
    %dma_wait3A_202 = tpu.memref_squeeze %dma_wait3A_201 : memref<1x16384xf32, #tpu.memory_space<hbm>> -> memref<16384xf32, #tpu.memory_space<hbm>>
    %dma_wait3A_203 = tpu.memref_slice %arg3[%select_n3A, %add3A_66] : memref<16x524288xf32, #tpu.memory_space<hbm>> -> memref<1x16384xf32, #tpu.memory_space<hbm>>
    %dma_wait3A_204 = tpu.memref_squeeze %dma_wait3A_203 : memref<1x16384xf32, #tpu.memory_space<hbm>> -> memref<16384xf32, #tpu.memory_space<hbm>>
    tpu.wait_dma2 semaphore(%arg18 : memref<!tpu.dma_semaphore, #tpu.memory_space<semaphore_mem>>) src(%arg4 : memref<16384xf32, #tpu.memory_space<vmem>>) dst(%dma_wait3A_204 : memref<16384xf32, #tpu.memory_space<hbm>>)
    %dma_start3A_205 = tpu.memref_slice %arg2[%add3A_92] : memref<8388608xf32, #tpu.memory_space<hbm>> -> memref<16384xf32, #tpu.memory_space<hbm>>
    %dma_start3A_206 = tpu.memref_slice %arg2[%add3A_92] : memref<8388608xf32, #tpu.memory_space<hbm>> -> memref<16384xf32, #tpu.memory_space<hbm>>
    tpu.enqueue_dma source(%dma_start3A_206 : memref<16384xf32, #tpu.memory_space<hbm>>) target(%arg4 : memref<16384xf32, #tpu.memory_space<vmem>>) target_semaphore(%arg11 : memref<!tpu.dma_semaphore, #tpu.memory_space<semaphore_mem>>)
    %dma_wait3A_207 = tpu.memref_slice %arg2[%add3A_68] : memref<8388608xf32, #tpu.memory_space<hbm>> -> memref<16384xf32, #tpu.memory_space<hbm>>
    %dma_wait3A_208 = tpu.memref_slice %arg2[%add3A_68] : memref<8388608xf32, #tpu.memory_space<hbm>> -> memref<16384xf32, #tpu.memory_space<hbm>>
    tpu.wait_dma2 semaphore(%arg12 : memref<!tpu.dma_semaphore, #tpu.memory_space<semaphore_mem>>) src(%dma_wait3A_208 : memref<16384xf32, #tpu.memory_space<hbm>>) dst(%arg5 : memref<16384xf32, #tpu.memory_space<vmem>>)
    %dma_start3A_209 = tpu.memref_slice %arg3[%select_n3A, %add3A_70] : memref<16x524288xf32, #tpu.memory_space<hbm>> -> memref<1x16384xf32, #tpu.memory_space<hbm>>
    %dma_start3A_210 = tpu.memref_squeeze %dma_start3A_209 : memref<1x16384xf32, #tpu.memory_space<hbm>> -> memref<16384xf32, #tpu.memory_space<hbm>>
    %dma_start3A_211 = tpu.memref_slice %arg3[%select_n3A, %add3A_70] : memref<16x524288xf32, #tpu.memory_space<hbm>> -> memref<1x16384xf32, #tpu.memory_space<hbm>>
    %dma_start3A_212 = tpu.memref_squeeze %dma_start3A_211 : memref<1x16384xf32, #tpu.memory_space<hbm>> -> memref<16384xf32, #tpu.memory_space<hbm>>
    tpu.enqueue_dma source(%arg5 : memref<16384xf32, #tpu.memory_space<vmem>>) target(%dma_start3A_212 : memref<16384xf32, #tpu.memory_space<hbm>>) target_semaphore(%arg19 : memref<!tpu.dma_semaphore, #tpu.memory_space<semaphore_mem>>)
    %dma_wait3A_213 = tpu.memref_slice %arg3[%select_n3A, %add3A_70] : memref<16x524288xf32, #tpu.memory_space<hbm>> -> memref<1x16384xf32, #tpu.memory_space<hbm>>
    %dma_wait3A_214 = tpu.memref_squeeze %dma_wait3A_213 : memref<1x16384xf32, #tpu.memory_space<hbm>> -> memref<16384xf32, #tpu.memory_space<hbm>>
    %dma_wait3A_215 = tpu.memref_slice %arg3[%select_n3A, %add3A_70] : memref<16x524288xf32, #tpu.memory_space<hbm>> -> memref<1x16384xf32, #tpu.memory_space<hbm>>
    %dma_wait3A_216 = tpu.memref_squeeze %dma_wait3A_215 : memref<1x16384xf32, #tpu.memory_space<hbm>> -> memref<16384xf32, #tpu.memory_space<hbm>>
    tpu.wait_dma2 semaphore(%arg19 : memref<!tpu.dma_semaphore, #tpu.memory_space<semaphore_mem>>) src(%arg5 : memref<16384xf32, #tpu.memory_space<vmem>>) dst(%dma_wait3A_216 : memref<16384xf32, #tpu.memory_space<hbm>>)
    %dma_start3A_217 = tpu.memref_slice %arg2[%add3A_96] : memref<8388608xf32, #tpu.memory_space<hbm>> -> memref<16384xf32, #tpu.memory_space<hbm>>
    %dma_start3A_218 = tpu.memref_slice %arg2[%add3A_96] : memref<8388608xf32, #tpu.memory_space<hbm>> -> memref<16384xf32, #tpu.memory_space<hbm>>
    tpu.enqueue_dma source(%dma_start3A_218 : memref<16384xf32, #tpu.memory_space<hbm>>) target(%arg5 : memref<16384xf32, #tpu.memory_space<vmem>>) target_semaphore(%arg12 : memref<!tpu.dma_semaphore, #tpu.memory_space<semaphore_mem>>)
    %dma_wait3A_219 = tpu.memref_slice %arg2[%add3A_72] : memref<8388608xf32, #tpu.memory_space<hbm>> -> memref<16384xf32, #tpu.memory_space<hbm>>
    %dma_wait3A_220 = tpu.memref_slice %arg2[%add3A_72] : memref<8388608xf32, #tpu.memory_space<hbm>> -> memref<16384xf32, #tpu.memory_space<hbm>>
    tpu.wait_dma2 semaphore(%arg13 : memref<!tpu.dma_semaphore, #tpu.memory_space<semaphore_mem>>) src(%dma_wait3A_220 : memref<16384xf32, #tpu.memory_space<hbm>>) dst(%arg6 : memref<16384xf32, #tpu.memory_space<vmem>>)
    %dma_start3A_221 = tpu.memref_slice %arg3[%select_n3A, %add3A_74] : memref<16x524288xf32, #tpu.memory_space<hbm>> -> memref<1x16384xf32, #tpu.memory_space<hbm>>
    %dma_start3A_222 = tpu.memref_squeeze %dma_start3A_221 : memref<1x16384xf32, #tpu.memory_space<hbm>> -> memref<16384xf32, #tpu.memory_space<hbm>>
    %dma_start3A_223 = tpu.memref_slice %arg3[%select_n3A, %add3A_74] : memref<16x524288xf32, #tpu.memory_space<hbm>> -> memref<1x16384xf32, #tpu.memory_space<hbm>>
    %dma_start3A_224 = tpu.memref_squeeze %dma_start3A_223 : memref<1x16384xf32, #tpu.memory_space<hbm>> -> memref<16384xf32, #tpu.memory_space<hbm>>
    tpu.enqueue_dma source(%arg6 : memref<16384xf32, #tpu.memory_space<vmem>>) target(%dma_start3A_224 : memref<16384xf32, #tpu.memory_space<hbm>>) target_semaphore(%arg20 : memref<!tpu.dma_semaphore, #tpu.memory_space<semaphore_mem>>)
    %dma_wait3A_225 = tpu.memref_slice %arg2[%add3A_76] : memref<8388608xf32, #tpu.memory_space<hbm>> -> memref<16384xf32, #tpu.memory_space<hbm>>
    %dma_wait3A_226 = tpu.memref_slice %arg2[%add3A_76] : memref<8388608xf32, #tpu.memory_space<hbm>> -> memref<16384xf32, #tpu.memory_space<hbm>>
    tpu.wait_dma2 semaphore(%arg14 : memref<!tpu.dma_semaphore, #tpu.memory_space<semaphore_mem>>) src(%dma_wait3A_226 : memref<16384xf32, #tpu.memory_space<hbm>>) dst(%arg7 : memref<16384xf32, #tpu.memory_space<vmem>>)
    %dma_start3A_227 = tpu.memref_slice %arg3[%select_n3A, %add3A_78] : memref<16x524288xf32, #tpu.memory_space<hbm>> -> memref<1x16384xf32, #tpu.memory_space<hbm>>
    %dma_start3A_228 = tpu.memref_squeeze %dma_start3A_227 : memref<1x16384xf32, #tpu.memory_space<hbm>> -> memref<16384xf32, #tpu.memory_space<hbm>>
    %dma_start3A_229 = tpu.memref_slice %arg3[%select_n3A, %add3A_78] : memref<16x524288xf32, #tpu.memory_space<hbm>> -> memref<1x16384xf32, #tpu.memory_space<hbm>>
    %dma_start3A_230 = tpu.memref_squeeze %dma_start3A_229 : memref<1x16384xf32, #tpu.memory_space<hbm>> -> memref<16384xf32, #tpu.memory_space<hbm>>
    tpu.enqueue_dma source(%arg7 : memref<16384xf32, #tpu.memory_space<vmem>>) target(%dma_start3A_230 : memref<16384xf32, #tpu.memory_space<hbm>>) target_semaphore(%arg21 : memref<!tpu.dma_semaphore, #tpu.memory_space<semaphore_mem>>)
    %dma_wait3A_231 = tpu.memref_slice %arg2[%add3A_80] : memref<8388608xf32, #tpu.memory_space<hbm>> -> memref<16384xf32, #tpu.memory_space<hbm>>
    %dma_wait3A_232 = tpu.memref_slice %arg2[%add3A_80] : memref<8388608xf32, #tpu.memory_space<hbm>> -> memref<16384xf32, #tpu.memory_space<hbm>>
    tpu.wait_dma2 semaphore(%arg15 : memref<!tpu.dma_semaphore, #tpu.memory_space<semaphore_mem>>) src(%dma_wait3A_232 : memref<16384xf32, #tpu.memory_space<hbm>>) dst(%arg8 : memref<16384xf32, #tpu.memory_space<vmem>>)
    %dma_start3A_233 = tpu.memref_slice %arg3[%select_n3A, %add3A_82] : memref<16x524288xf32, #tpu.memory_space<hbm>> -> memref<1x16384xf32, #tpu.memory_space<hbm>>
    %dma_start3A_234 = tpu.memref_squeeze %dma_start3A_233 : memref<1x16384xf32, #tpu.memory_space<hbm>> -> memref<16384xf32, #tpu.memory_space<hbm>>
    %dma_start3A_235 = tpu.memref_slice %arg3[%select_n3A, %add3A_82] : memref<16x524288xf32, #tpu.memory_space<hbm>> -> memref<1x16384xf32, #tpu.memory_space<hbm>>
    %dma_start3A_236 = tpu.memref_squeeze %dma_start3A_235 : memref<1x16384xf32, #tpu.memory_space<hbm>> -> memref<16384xf32, #tpu.memory_space<hbm>>
    tpu.enqueue_dma source(%arg8 : memref<16384xf32, #tpu.memory_space<vmem>>) target(%dma_start3A_236 : memref<16384xf32, #tpu.memory_space<hbm>>) target_semaphore(%arg22 : memref<!tpu.dma_semaphore, #tpu.memory_space<semaphore_mem>>)
    %dma_wait3A_237 = tpu.memref_slice %arg2[%add3A_84] : memref<8388608xf32, #tpu.memory_space<hbm>> -> memref<16384xf32, #tpu.memory_space<hbm>>
    %dma_wait3A_238 = tpu.memref_slice %arg2[%add3A_84] : memref<8388608xf32, #tpu.memory_space<hbm>> -> memref<16384xf32, #tpu.memory_space<hbm>>
    tpu.wait_dma2 semaphore(%arg16 : memref<!tpu.dma_semaphore, #tpu.memory_space<semaphore_mem>>) src(%dma_wait3A_238 : memref<16384xf32, #tpu.memory_space<hbm>>) dst(%arg9 : memref<16384xf32, #tpu.memory_space<vmem>>)
    %dma_start3A_239 = tpu.memref_slice %arg3[%select_n3A, %add3A_86] : memref<16x524288xf32, #tpu.memory_space<hbm>> -> memref<1x16384xf32, #tpu.memory_space<hbm>>
    %dma_start3A_240 = tpu.memref_squeeze %dma_start3A_239 : memref<1x16384xf32, #tpu.memory_space<hbm>> -> memref<16384xf32, #tpu.memory_space<hbm>>
    %dma_start3A_241 = tpu.memref_slice %arg3[%select_n3A, %add3A_86] : memref<16x524288xf32, #tpu.memory_space<hbm>> -> memref<1x16384xf32, #tpu.memory_space<hbm>>
    %dma_start3A_242 = tpu.memref_squeeze %dma_start3A_241 : memref<1x16384xf32, #tpu.memory_space<hbm>> -> memref<16384xf32, #tpu.memory_space<hbm>>
    tpu.enqueue_dma source(%arg9 : memref<16384xf32, #tpu.memory_space<vmem>>) target(%dma_start3A_242 : memref<16384xf32, #tpu.memory_space<hbm>>) target_semaphore(%arg23 : memref<!tpu.dma_semaphore, #tpu.memory_space<semaphore_mem>>)
    %dma_wait3A_243 = tpu.memref_slice %arg2[%add3A_88] : memref<8388608xf32, #tpu.memory_space<hbm>> -> memref<16384xf32, #tpu.memory_space<hbm>>
    %dma_wait3A_244 = tpu.memref_slice %arg2[%add3A_88] : memref<8388608xf32, #tpu.memory_space<hbm>> -> memref<16384xf32, #tpu.memory_space<hbm>>
    tpu.wait_dma2 semaphore(%arg17 : memref<!tpu.dma_semaphore, #tpu.memory_space<semaphore_mem>>) src(%dma_wait3A_244 : memref<16384xf32, #tpu.memory_space<hbm>>) dst(%arg10 : memref<16384xf32, #tpu.memory_space<vmem>>)
    %dma_start3A_245 = tpu.memref_slice %arg3[%select_n3A, %add3A_90] : memref<16x524288xf32, #tpu.memory_space<hbm>> -> memref<1x16384xf32, #tpu.memory_space<hbm>>
    %dma_start3A_246 = tpu.memref_squeeze %dma_start3A_245 : memref<1x16384xf32, #tpu.memory_space<hbm>> -> memref<16384xf32, #tpu.memory_space<hbm>>
    %dma_start3A_247 = tpu.memref_slice %arg3[%select_n3A, %add3A_90] : memref<16x524288xf32, #tpu.memory_space<hbm>> -> memref<1x16384xf32, #tpu.memory_space<hbm>>
    %dma_start3A_248 = tpu.memref_squeeze %dma_start3A_247 : memref<1x16384xf32, #tpu.memory_space<hbm>> -> memref<16384xf32, #tpu.memory_space<hbm>>
    tpu.enqueue_dma source(%arg10 : memref<16384xf32, #tpu.memory_space<vmem>>) target(%dma_start3A_248 : memref<16384xf32, #tpu.memory_space<hbm>>) target_semaphore(%arg24 : memref<!tpu.dma_semaphore, #tpu.memory_space<semaphore_mem>>)
    %dma_wait3A_249 = tpu.memref_slice %arg2[%add3A_92] : memref<8388608xf32, #tpu.memory_space<hbm>> -> memref<16384xf32, #tpu.memory_space<hbm>>
    %dma_wait3A_250 = tpu.memref_slice %arg2[%add3A_92] : memref<8388608xf32, #tpu.memory_space<hbm>> -> memref<16384xf32, #tpu.memory_space<hbm>>
    tpu.wait_dma2 semaphore(%arg11 : memref<!tpu.dma_semaphore, #tpu.memory_space<semaphore_mem>>) src(%dma_wait3A_250 : memref<16384xf32, #tpu.memory_space<hbm>>) dst(%arg4 : memref<16384xf32, #tpu.memory_space<vmem>>)
    %dma_start3A_251 = tpu.memref_slice %arg3[%select_n3A, %add3A_94] : memref<16x524288xf32, #tpu.memory_space<hbm>> -> memref<1x16384xf32, #tpu.memory_space<hbm>>
    %dma_start3A_252 = tpu.memref_squeeze %dma_start3A_251 : memref<1x16384xf32, #tpu.memory_space<hbm>> -> memref<16384xf32, #tpu.memory_space<hbm>>
    %dma_start3A_253 = tpu.memref_slice %arg3[%select_n3A, %add3A_94] : memref<16x524288xf32, #tpu.memory_space<hbm>> -> memref<1x16384xf32, #tpu.memory_space<hbm>>
    %dma_start3A_254 = tpu.memref_squeeze %dma_start3A_253 : memref<1x16384xf32, #tpu.memory_space<hbm>> -> memref<16384xf32, #tpu.memory_space<hbm>>
    tpu.enqueue_dma source(%arg4 : memref<16384xf32, #tpu.memory_space<vmem>>) target(%dma_start3A_254 : memref<16384xf32, #tpu.memory_space<hbm>>) target_semaphore(%arg18 : memref<!tpu.dma_semaphore, #tpu.memory_space<semaphore_mem>>)
    %dma_wait3A_255 = tpu.memref_slice %arg2[%add3A_96] : memref<8388608xf32, #tpu.memory_space<hbm>> -> memref<16384xf32, #tpu.memory_space<hbm>>
    %dma_wait3A_256 = tpu.memref_slice %arg2[%add3A_96] : memref<8388608xf32, #tpu.memory_space<hbm>> -> memref<16384xf32, #tpu.memory_space<hbm>>
    tpu.wait_dma2 semaphore(%arg12 : memref<!tpu.dma_semaphore, #tpu.memory_space<semaphore_mem>>) src(%dma_wait3A_256 : memref<16384xf32, #tpu.memory_space<hbm>>) dst(%arg5 : memref<16384xf32, #tpu.memory_space<vmem>>)
    %dma_start3A_257 = tpu.memref_slice %arg3[%select_n3A, %add3A_98] : memref<16x524288xf32, #tpu.memory_space<hbm>> -> memref<1x16384xf32, #tpu.memory_space<hbm>>
    %dma_start3A_258 = tpu.memref_squeeze %dma_start3A_257 : memref<1x16384xf32, #tpu.memory_space<hbm>> -> memref<16384xf32, #tpu.memory_space<hbm>>
    %dma_start3A_259 = tpu.memref_slice %arg3[%select_n3A, %add3A_98] : memref<16x524288xf32, #tpu.memory_space<hbm>> -> memref<1x16384xf32, #tpu.memory_space<hbm>>
    %dma_start3A_260 = tpu.memref_squeeze %dma_start3A_259 : memref<1x16384xf32, #tpu.memory_space<hbm>> -> memref<16384xf32, #tpu.memory_space<hbm>>
    tpu.enqueue_dma source(%arg5 : memref<16384xf32, #tpu.memory_space<vmem>>) target(%dma_start3A_260 : memref<16384xf32, #tpu.memory_space<hbm>>) target_semaphore(%arg19 : memref<!tpu.dma_semaphore, #tpu.memory_space<semaphore_mem>>)
    %dma_wait3A_261 = tpu.memref_slice %arg3[%select_n3A, %add3A_74] : memref<16x524288xf32, #tpu.memory_space<hbm>> -> memref<1x16384xf32, #tpu.memory_space<hbm>>
    %dma_wait3A_262 = tpu.memref_squeeze %dma_wait3A_261 : memref<1x16384xf32, #tpu.memory_space<hbm>> -> memref<16384xf32, #tpu.memory_space<hbm>>
    %dma_wait3A_263 = tpu.memref_slice %arg3[%select_n3A, %add3A_74] : memref<16x524288xf32, #tpu.memory_space<hbm>> -> memref<1x16384xf32, #tpu.memory_space<hbm>>
    %dma_wait3A_264 = tpu.memref_squeeze %dma_wait3A_263 : memref<1x16384xf32, #tpu.memory_space<hbm>> -> memref<16384xf32, #tpu.memory_space<hbm>>
    tpu.wait_dma2 semaphore(%arg20 : memref<!tpu.dma_semaphore, #tpu.memory_space<semaphore_mem>>) src(%arg6 : memref<16384xf32, #tpu.memory_space<vmem>>) dst(%dma_wait3A_264 : memref<16384xf32, #tpu.memory_space<hbm>>)
    %dma_wait3A_265 = tpu.memref_slice %arg3[%select_n3A, %add3A_78] : memref<16x524288xf32, #tpu.memory_space<hbm>> -> memref<1x16384xf32, #tpu.memory_space<hbm>>
    %dma_wait3A_266 = tpu.memref_squeeze %dma_wait3A_265 : memref<1x16384xf32, #tpu.memory_space<hbm>> -> memref<16384xf32, #tpu.memory_space<hbm>>
    %dma_wait3A_267 = tpu.memref_slice %arg3[%select_n3A, %add3A_78] : memref<16x524288xf32, #tpu.memory_space<hbm>> -> memref<1x16384xf32, #tpu.memory_space<hbm>>
    %dma_wait3A_268 = tpu.memref_squeeze %dma_wait3A_267 : memref<1x16384xf32, #tpu.memory_space<hbm>> -> memref<16384xf32, #tpu.memory_space<hbm>>
    tpu.wait_dma2 semaphore(%arg21 : memref<!tpu.dma_semaphore, #tpu.memory_space<semaphore_mem>>) src(%arg7 : memref<16384xf32, #tpu.memory_space<vmem>>) dst(%dma_wait3A_268 : memref<16384xf32, #tpu.memory_space<hbm>>)
    %dma_wait3A_269 = tpu.memref_slice %arg3[%select_n3A, %add3A_82] : memref<16x524288xf32, #tpu.memory_space<hbm>> -> memref<1x16384xf32, #tpu.memory_space<hbm>>
    %dma_wait3A_270 = tpu.memref_squeeze %dma_wait3A_269 : memref<1x16384xf32, #tpu.memory_space<hbm>> -> memref<16384xf32, #tpu.memory_space<hbm>>
    %dma_wait3A_271 = tpu.memref_slice %arg3[%select_n3A, %add3A_82] : memref<16x524288xf32, #tpu.memory_space<hbm>> -> memref<1x16384xf32, #tpu.memory_space<hbm>>
    %dma_wait3A_272 = tpu.memref_squeeze %dma_wait3A_271 : memref<1x16384xf32, #tpu.memory_space<hbm>> -> memref<16384xf32, #tpu.memory_space<hbm>>
    tpu.wait_dma2 semaphore(%arg22 : memref<!tpu.dma_semaphore, #tpu.memory_space<semaphore_mem>>) src(%arg8 : memref<16384xf32, #tpu.memory_space<vmem>>) dst(%dma_wait3A_272 : memref<16384xf32, #tpu.memory_space<hbm>>)
    %dma_wait3A_273 = tpu.memref_slice %arg3[%select_n3A, %add3A_86] : memref<16x524288xf32, #tpu.memory_space<hbm>> -> memref<1x16384xf32, #tpu.memory_space<hbm>>
    %dma_wait3A_274 = tpu.memref_squeeze %dma_wait3A_273 : memref<1x16384xf32, #tpu.memory_space<hbm>> -> memref<16384xf32, #tpu.memory_space<hbm>>
    %dma_wait3A_275 = tpu.memref_slice %arg3[%select_n3A, %add3A_86] : memref<16x524288xf32, #tpu.memory_space<hbm>> -> memref<1x16384xf32, #tpu.memory_space<hbm>>
    %dma_wait3A_276 = tpu.memref_squeeze %dma_wait3A_275 : memref<1x16384xf32, #tpu.memory_space<hbm>> -> memref<16384xf32, #tpu.memory_space<hbm>>
    tpu.wait_dma2 semaphore(%arg23 : memref<!tpu.dma_semaphore, #tpu.memory_space<semaphore_mem>>) src(%arg9 : memref<16384xf32, #tpu.memory_space<vmem>>) dst(%dma_wait3A_276 : memref<16384xf32, #tpu.memory_space<hbm>>)
    %dma_wait3A_277 = tpu.memref_slice %arg3[%select_n3A, %add3A_90] : memref<16x524288xf32, #tpu.memory_space<hbm>> -> memref<1x16384xf32, #tpu.memory_space<hbm>>
    %dma_wait3A_278 = tpu.memref_squeeze %dma_wait3A_277 : memref<1x16384xf32, #tpu.memory_space<hbm>> -> memref<16384xf32, #tpu.memory_space<hbm>>
    %dma_wait3A_279 = tpu.memref_slice %arg3[%select_n3A, %add3A_90] : memref<16x524288xf32, #tpu.memory_space<hbm>> -> memref<1x16384xf32, #tpu.memory_space<hbm>>
    %dma_wait3A_280 = tpu.memref_squeeze %dma_wait3A_279 : memref<1x16384xf32, #tpu.memory_space<hbm>> -> memref<16384xf32, #tpu.memory_space<hbm>>
    tpu.wait_dma2 semaphore(%arg24 : memref<!tpu.dma_semaphore, #tpu.memory_space<semaphore_mem>>) src(%arg10 : memref<16384xf32, #tpu.memory_space<vmem>>) dst(%dma_wait3A_280 : memref<16384xf32, #tpu.memory_space<hbm>>)
    %dma_wait3A_281 = tpu.memref_slice %arg3[%select_n3A, %add3A_94] : memref<16x524288xf32, #tpu.memory_space<hbm>> -> memref<1x16384xf32, #tpu.memory_space<hbm>>
    %dma_wait3A_282 = tpu.memref_squeeze %dma_wait3A_281 : memref<1x16384xf32, #tpu.memory_space<hbm>> -> memref<16384xf32, #tpu.memory_space<hbm>>
    %dma_wait3A_283 = tpu.memref_slice %arg3[%select_n3A, %add3A_94] : memref<16x524288xf32, #tpu.memory_space<hbm>> -> memref<1x16384xf32, #tpu.memory_space<hbm>>
    %dma_wait3A_284 = tpu.memref_squeeze %dma_wait3A_283 : memref<1x16384xf32, #tpu.memory_space<hbm>> -> memref<16384xf32, #tpu.memory_space<hbm>>
    tpu.wait_dma2 semaphore(%arg18 : memref<!tpu.dma_semaphore, #tpu.memory_space<semaphore_mem>>) src(%arg4 : memref<16384xf32, #tpu.memory_space<vmem>>) dst(%dma_wait3A_284 : memref<16384xf32, #tpu.memory_space<hbm>>)
    %dma_wait3A_285 = tpu.memref_slice %arg3[%select_n3A, %add3A_98] : memref<16x524288xf32, #tpu.memory_space<hbm>> -> memref<1x16384xf32, #tpu.memory_space<hbm>>
    %dma_wait3A_286 = tpu.memref_squeeze %dma_wait3A_285 : memref<1x16384xf32, #tpu.memory_space<hbm>> -> memref<16384xf32, #tpu.memory_space<hbm>>
    %dma_wait3A_287 = tpu.memref_slice %arg3[%select_n3A, %add3A_98] : memref<16x524288xf32, #tpu.memory_space<hbm>> -> memref<1x16384xf32, #tpu.memory_space<hbm>>
    %dma_wait3A_288 = tpu.memref_squeeze %dma_wait3A_287 : memref<1x16384xf32, #tpu.memory_space<hbm>> -> memref<16384xf32, #tpu.memory_space<hbm>>
    tpu.wait_dma2 semaphore(%arg19 : memref<!tpu.dma_semaphore, #tpu.memory_space<semaphore_mem>>) src(%arg5 : memref<16384xf32, #tpu.memory_space<vmem>>) dst(%dma_wait3A_288 : memref<16384xf32, #tpu.memory_space<hbm>>)
    return
  }
}

</mosaic_0001>

<sc_bundles>
// kernel: kernel.3.cloned.1.call-start
scs
__scs_entry_jumppad:
0x0: {  	(pc) =	sbr.rel $0x88, $3  }
0x1: {  	(tag) =	ssettag $0x0;
	lr =	simm.s32 $0x1  }
0x2: {  	[smem:$0x3FA0] =	sst lr;
	_ =	strace $0xD0000000  }
0x3: {  	_ = 	snop  }
0x4: {  	_ = 	snop  }
0x5: {  	_ = 	snop  }
0x6: {  	_ = 	snop  }
0x7: {  	_ = 	snop  }
__scs_overlays_trampoline_lowered:
0x8: {  	[smem:$0x3FAF] =	sst s0  }
0x9: {  	[smem:$0x3FB0] =	sst s1  }
0xa: {  	[smem:$0x3FB1] =	sst s2  }
0xb: {  	[smem:$0x3FB2] =	sst s3  }
0xc: {  	[smem:$0x3FB3] =	sst s4  }
0xd: {  	[smem:$0x3FB4] =	sst s5  }
0xe: {  	[smem:$0x3FB5] =	sst s6  }
0xf: {  	[smem:$0x3FB6] =	sst s7  }
0x10: {  	[smem:$0x3FB7] =	sst s8  }
0x11: {  	[smem:$0x3FB8] =	sst s9;
	s0 =	simm.s32 @!p0 $0x0  }
0x12: {  	s1 =	sld [smem:$0x3F9E];
	s0 =	simm.s32 @p0 $0x1  }
0x13: {  	[smem:$0x3FB9] =	sst s0;
	s0 =	simm.s32 @!p1 $0x0  }
0x14: {  	s2 =	sld [smem:$0x3F9D];
	s0 =	simm.s32 @p1 $0x1  }
0x15: {  	[smem:$0x3FBA] =	sst s0;
	s0 =	simm.s32 @!p2 $0x0  }
0x16: {  	s3 =	sld [smem:$0x3FDB];
	s0 =	simm.s32 @p2 $0x1  }
0x17: {  	s4 =	simm.s32 $0x1BF5;
	[smem:$0x3FBC] =	sst s0  }
0x18: {  	s0 =	sld [smem:$0x3F9F];
	_ =	swait.ge [sflag:s4], $0x0  }
0x19: {  	s7 =	sld [smem:$0x3FA0]  }
0x1a: {  	s8 =	sadd.s32 $0xFFFFE003, lr  }
0x1b: {  	s9 =	sadd.s32 $0xFFFFFEF7, lr;
	s5 =	simm.s32 $0xFFFFFFFF;
	p2 =	slt.u32 s8, $0xFFFFF086  }
0x1c: {  	p1 =	slt.u32 s9, $0xF7A;
	s5 =	simm.s32 @!p2 $0x0  }
0x1d: {  	s5 =	simm.s32 @p1 $0x1;
	p0 =	seq.s32 s7, s2  }
0x1e: {  	s7 =	smul.u32 @!p0 $0xF7A, s2;
	p2 =	seq.s32 @!p0 s5, $0x0  }
0x1f: {  	s9 =	smul.u32 $0xF7A, s1;
	s8 =	simm.s32 @!p0 $0x1BF5;
	p2 =	por !p2, p0  }
0x20: {  	[sflag:s8] =	ssyncset.s32 @!p0 $0xFFFFF086;
	s6 =	sadd.s32 @!p0 s3, s7;
	s7 =	simm.s32 @!p0 $0x108  }
0x21: {  	s3 =	sadd.s32 s3, s9;
	s6 =	sadd.s32 @!p0 $0x88, s6;
	s7 =	simm.s32 @p2 $0x1082  }
0x22: {  	[simem:s7], [sflag:s8] =	dma.local @!p0 [hbm:s6], $0xF7A  }
0x23: {  	s9 =	sor.u32 $0xD0000000, s2;
	s6 =	simm.s32 $0x108;
	_ =	swait.ge @!p0 [sflag:s8], $0x0  }
0x24: {  	s3 =	sadd.s32 $0x88, s3;
	s6 =	simm.s32 @!p1 $0x1082;
	[sflag:s4] =	ssyncset.s32 $0xFFFFF086  }
0x25: {  	[simem:s6], [sflag:s4] =	dma.local [hbm:s3], $0xF7A  }
0x26: {  	[smem:$0x3FA0] =	sst s1;
	(tag) =	ssettag s2;
	_ =	strace s9  }
0x27: {  	s1 =	sld [smem:$0x3FB0]  }
0x28: {  	s2 =	sld [smem:$0x3FB1]  }
0x29: {  	s4 =	sld [smem:$0x3FB3]  }
0x2a: {  	p0 =	seq.s32 s5, $0x0;
	s5 =	sld [smem:$0x3FB4]  }
0x2b: {  	s6 =	sld [smem:$0x3FB5]  }
0x2c: {  	s7 =	sld [smem:$0x3FB6]  }
0x2d: {  	s3 =	simm.s32 $0x108;
	s8 =	sld [smem:$0x3FB7]  }
0x2e: {  	s3 =	simm.s32 @!p0 $0x1082;
	s9 =	sld [smem:$0x3FB8]  }
0x2f: {  	lr =	sadd.s32 s0, s3;
	s0 =	sld [smem:$0x3FAF]  }
0x30: {  	s3 =	sld [smem:$0x3FB2]  }
0x31: {  	[smem:$0x3FBB] =	sst s10  }
0x32: {  	s10 =	sld [smem:$0x3FB9];
	_ =	sdelay $0x3  }
0x33: {  	p0 =	seq.s32 s10, $0x1;
	s10 =	sld [smem:$0x3FBB];
	_ =	sdelay $0x3  }
0x34: {  	[smem:$0x3FBB] =	sst s10  }
0x35: {  	s10 =	sld [smem:$0x3FBA];
	_ =	sdelay $0x3  }
0x36: {  	p1 =	seq.s32 s10, $0x1;
	s10 =	sld [smem:$0x3FBB];
	_ =	sdelay $0x3  }
0x37: {  	[smem:$0x3FBB] =	sst s10  }
0x38: {  	s10 =	sld [smem:$0x3FBC]  }
0x39: {  	_ = 	snop;
	(pc) =	sbr.ind lr, $3  }
0x3a: {  	_ = 	snop  }
0x3b: {  	_ = 	snop  }
0x3c: {  	p2 =	seq.s32 s10, $0x1;
	s10 =	sld [smem:$0x3FBB]  }
0x3d: {  	_ =	shalt  }
0x3e: {  	_ =	shalt  }
0x3f: {  	_ =	shalt  }
0x40: {  	_ =	shalt  }
0x41: {  	_ =	shalt  }
0x42: {  	_ =	shalt  }
0x43: {  	_ =	shalt  }
0x44: {  	_ =	shalt  }
0x45: {  	_ =	shalt  }
0x46: {  	_ =	shalt  }
0x47: {  	_ =	shalt  }
0x48: {  	_ =	shalt  }
0x49: {  	_ =	shalt  }
0x4a: {  	_ =	shalt  }
0x4b: {  	_ =	shalt  }
0x4c: {  	_ =	shalt  }
0x4d: {  	_ =	shalt  }
0x4e: {  	_ =	shalt  }
0x4f: {  	_ =	shalt  }
0x50: {  	_ =	shalt  }
0x51: {  	_ =	shalt  }
0x52: {  	_ =	shalt  }
0x53: {  	_ =	shalt  }
0x54: {  	_ =	shalt  }
0x55: {  	_ =	shalt  }
0x56: {  	_ =	shalt  }
0x57: {  	_ =	shalt  }
0x58: {  	_ =	shalt  }
0x59: {  	_ =	shalt  }
0x5a: {  	_ =	shalt  }
0x5b: {  	_ =	shalt  }
0x5c: {  	_ =	shalt  }
0x5d: {  	_ =	shalt  }
0x5e: {  	_ =	shalt  }
0x5f: {  	_ =	shalt  }
0x60: {  	_ =	shalt  }
0x61: {  	_ =	shalt  }
0x62: {  	_ =	shalt  }
0x63: {  	_ =	shalt  }
0x64: {  	_ =	shalt  }
0x65: {  	_ =	shalt  }
0x66: {  	_ =	shalt  }
0x67: {  	_ =	shalt  }
0x68: {  	_ =	shalt  }
0x69: {  	_ =	shalt  }
0x6a: {  	_ =	shalt  }
0x6b: {  	_ =	shalt  }
0x6c: {  	_ =	shalt  }
0x6d: {  	_ =	shalt  }
0x6e: {  	_ =	shalt  }
0x6f: {  	_ =	shalt  }
0x70: {  	_ =	shalt  }
0x71: {  	_ =	shalt  }
0x72: {  	_ =	shalt  }
0x73: {  	_ =	shalt  }
0x74: {  	_ =	shalt  }
0x75: {  	_ =	shalt  }
0x76: {  	_ =	shalt  }
0x77: {  	_ =	shalt  }
0x78: {  	_ =	shalt  }
0x79: {  	_ =	shalt  }
0x7a: {  	_ =	shalt  }
0x7b: {  	_ =	shalt  }
0x7c: {  	_ =	shalt  }
0x7d: {  	_ =	shalt  }
0x7e: {  	_ =	shalt  }
0x7f: {  	_ =	shalt  }
0x80: {  	_ =	shalt  }
0x81: {  	_ =	shalt  }
0x82: {  	_ =	shalt  }
0x83: {  	_ =	shalt  }
0x84: {  	_ =	shalt  }
0x85: {  	_ =	shalt  }
0x86: {  	_ =	shalt  }
0x87: {  	_ =	shalt  }
.Lfunc_end0:
.L_simem_size_0:
called_computation_lowered:
.L_overlay_start_0:
0x88: {  	s2 =	sld [smem:$0x3FD9]  }
0x89: {  	s3 =	sld [smem:$0x3FFE];
	_ =	sdelay $0x1  }
0x8a: {  	s1 =	srdreg.scid  }
0x8b: {  	s0 =	sand.u32 $0x1, s1  }
0x8c: {  	s18 =	sshll.u32 s0, $0xA;
	s2 =	sadd.s32 s3, s2  }
0x8d: {  	s2 =	sadd.s32 s2, s18  }
0x8e: {  	[smem:$0x3FC7] =	sst s2  }
0x8f: {  	_ = 	snop  }
0x90: {  	s2 =	sld [smem:$0x3FC9]  }
0x91: {  	s19 =	sld [smem:$0x3FD0];
	(tm) =	ssettm $0x1  }
0x92: {  	s4 =	sld [smem:$0x3FFB];
	_ =	sdelay $0x3  }
0x93: {  	_ =	strace s4  }
0x94: {  	s4 =	sld [smem:$0x3FFC];
	_ =	sdelay $0x3  }
0x95: {  	_ =	strace s4  }
0x96: {  	s4 =	sld [smem:$0x3FFD];
	_ =	sdelay $0x3  }
0x97: {  	_ =	strace s4  }
0x98: {  	_ =	strace $0x8FFFFFFF  }
0x99: {  	s20 =	sld [smem:$0x3FDB];
	_ =	sdelay $0x1  }
0x9a: {  	s5 =	simm.s32 $_scs_section_size  }
0x9b: {  	s6 =	simm.s32 $_size__tile_overlayer_lowered;
	s7 =	simm.s32 $_tile_overlayer_lowered  }
0x9c: {  	s23 =	simm.s32 $0x1BFF;
	s22 =	sshll.u32 s7, $0x1;
	s4 =	sadd.s32 s5, s20  }
0x9d: {  	s8 =	simm.s32 $0x0;
	s21 =	sshll.u32 s6, $0x1;
	s6 =	sadd.s32 s22, s4  }
0x9e: {  	[timem:s8], [sflag:s23] =	dma.local [hbm:s6], s21  }
0x9f: {  	_ =	swait.ge [sflag:s23], s21  }
0xa0: {  	s5 =	ssub.s32 $0x0, s21;
	[sflag:s23] =	ssyncset.done $0x0  }
0xa1: {  	[sflag:s23] =	ssyncadd.s32 s5;
	_ =	sdelay $0x1  }
0xa2: {  	s24 =	simm.s32 $0x1B8B  }
0xa3: {  	_ =	swait.ge [sflag:s24], $0x1  }
0xa4: {  	[sflag:s24] =	ssyncset.done $0x0  }
0xa5: {  	s25 =	simm.s32 $0x1B8E;
	[sflag:s24] =	ssyncadd.s32 $0xFFFFFFFF  }
0xa6: {  	s26 =	simm.s32 $execute0_lowered;
	[smem:$0x3FD2] =	sst s25  }
0xa7: {  	s5 =	sshll.u32 s26, $0x1;
	_ =	strace $0x80000046;
	[dreg:$0x1] =	wrdreg $0xFFFFFFFF  }
0xa8: {  	s28 =	simm.s32 $_size_execute0_lowered;
	s4 =	sadd.s32 s4, s5;
	[dreg:$0x0] =	wrdreg $0x0  }
0xa9: {  	s5 =	sshll.u32 s28, $0x1;
	[dreg:$0x2] =	wrdreg s4  }
0xaa: {  	[dreg:$0x3] =	wrdreg s5  }
0xab: {  	[dreg:$0x4] =	wrdreg $0xC0  }
0xac: {  	_ =	task [dreg:s8], $0x5FFFF  }
0xad: {  	[dreg:$0x1] =	wrdreg $0xFFFFFFFF  }
0xae: {  	[dreg:$0x0] =	wrdreg $0x60  }
0xaf: {  	[dreg:$0x2] =	wrdreg s2  }
0xb0: {  	[dreg:$0x3] =	wrdreg s19  }
0xb1: {  	[dreg:$0x4] =	wrdreg $0x9  }
0xb2: {  	_ =	task.clear_ibuf [dreg:s8], $0x5FFFF;
	_ =	strace $0x90000046  }
0xb3: {  	s29 =	simm.s32 $0x9;
	_ =	strace $0x80000048  }
0xb4: {  	_ =	swait.ge [sflag:s29], $0x1  }
0xb5: {  	[sflag:s29] =	ssyncadd.s32 $0xFFFFFFFF  }
0xb6: {  	_ =	strace $0x90000048  }
0xb7: {  	_ =	sfence  }
0xb8: {  	s30 =	sld [smem:$0x0];
	_ =	sdelay $0x2  }
0xb9: {  	s31 =	sshll.u32 s1, $0xD;
	s1 =	sshrl.u32 s1, $0x2  }
0xba: {  	s3 =	sand.u32 $0x4000, s31;
	s1 =	sadd.s32 s1, s30  }
0xbb: {  	s0 =	sor.u32 s3, s0;
	s1 =	sshll.u32 s1, $0x11  }
0xbc: {  	s0 =	sor.u32 s1, s0  }
0xbd: {  	s0 =	sadd.s32 $0x8F2B, s0  }
0xbe: {  	[sflag:s0] =	ssyncadd.remote.s32 $0x1  }
0xbf: {  	_ =	sfence.sel $0xFFFF  }
0xc0: {  	[dreg:$0x0] =	wrdreg $0xFFFFFFFF;
	(pc) =	sbr.abs _section_cstart, $3  }
0xc1: {  	[dreg:$0x1] =	wrdreg $0xFFFFFFFF  }
0xc2: {  	_ =	task.clear_ibuf [dreg:s8], $0x2FFFF;
	_ =	strace $0x9FFFFFFF  }
0xc3: {  	(tm) =	ssettm $0x7FFFFFFF  }
tec
execute0_lowered:
.L_overlay_start_1:
0x0: {  	(tag) =	ssettag $0x1  }
0x1: {  	s0 =	srdreg.scid  }
0x2: {  	s0 =	sand.u32 $0x1, s0  }
0x3: {  	s1 =	stileid.u32;
	s5 =	sshll.u32 s0, $0x4  }
0x4: {  	s3 =	rddreg [dreg:$0x0];
	s5 =	sor.u32 s1, s5  }
0x5: {  	s4 =	rddreg [dreg:$0x1];
	s2 =	simm.s32 $0x0;
	s7 =	sshll.u32 s5, $0xF  }
0x6: {  	s29 =	simm.s32 $0x3;
	s28 =	simm.s32 $0x5;
	s30 =	sadd.s32 s3, s7  }
0x7: {  	s6 =	sand.u32 $0x1, s1;
	[smem:$0x7FF] =	sst s2;
	s20 =	sadd.s32 $0x800, s30  }
0x8: {  	_ =	strace $0x80000047;
	s21 =	sadd.s32 $0x1000, s30;
	[dreg:$0x3] =	wrdreg s20  }
0x9: {  	s19 =	sshll.u32 s1, $0x15;
	s22 =	sadd.s32 $0x1800, s30;
	[dreg:$0x4] =	wrdreg s21  }
0xa: {  	p1 =	seq.s32 s6, $0x1;
	s25 =	sadd.s32 $0x2000, s30;
	[dreg:$0x5] =	wrdreg s22  }
0xb: {  	s6 =	simm.s32 $0x1;
	s26 =	sadd.s32 $0x2800, s30;
	[dreg:$0x6] =	wrdreg s25  }
0xc: {  	s0 =	ssub.s32 $0x2, s0;
	s1 =	sadd.s32 $0x3000, s30;
	[dreg:$0x7] =	wrdreg s26  }
0xd: {  	p0 =	seq.s32 s5, $0x0;
	s8 =	sadd.s32 $0x4000, s30;
	[dreg:$0x8] =	wrdreg s1  }
0xe: {  	s5 =	sshrl.u32 s5, $0x1;
	s10 =	sadd.s32 $0x4800, s30;
	[dreg:$0xb] =	wrdreg s8  }
0xf: {  	p0 =	por !p0, !p1;
	s12 =	sadd.s32 $0x5000, s30;
	[dreg:$0xd] =	wrdreg s10  }
0x10: {  	p0 =	por !p0, !p0;
	s14 =	sadd.s32 $0x5800, s30;
	[dreg:$0xf] =	wrdreg s12  }
0x11: {  	s16 =	sadd.s32 $0x6000, s30;
	s6 =	simm.s32 @!p0 $0x0;
	[dreg:$0x11] =	wrdreg s14  }
0x12: {  	[dreg:$0x13] =	wrdreg s16;
	s20 =	sadd.s32 $0x7000, s30;
	s22 =	sadd.s32 $0x7800, s30  }
0x13: {  	s10 =	simm.s32 $0x80;
	s12 =	simm.s32 $0x400;
	p0 =	por $0x0, $0x0  }
0x14: {  	s16 =	simm.s32 $0xD;
	s14 =	simm.s32 $0xE;
	s18 =	ssub.s32 s5, s6  }
0x15: {  	s5 =	sand.u32 $0x200000, s19;
	s6 =	sadd.s32 $0x3800, s30;
	s23 =	sshll.u32 s18, $0x13  }
0x16: {  	[dreg:$0x17] =	wrdreg s20;
	s3 =	sshll.u32 s18, $0x7;
	s24 =	sand.u32 $0xFFC00000, s23  }
0x17: {  	[dreg:$0x19] =	wrdreg s22;
	s3 =	sand.u32 $0x380, s3;
	s5 =	sor.u32 s5, s24  }
0x18: {  	s22 =	simm.s32 $0xC000;
	s20 =	simm.s32 $0x14000;
	s3 =	sor.u32 s3, s5  }
0x19: {  	[dreg:$0x9] =	wrdreg s6;
	s18 =	sadd.s32 $0x6800, s30;
	s3 =	sshrl.u32 s3, $0x3  }
0x1a: {  	[dreg:$0x15] =	wrdreg s18;
	s23 =	sshrl.u32 s0, $0x1;
	s31 =	sadd.s32 s4, s3  }
0x1b: {  	s18 =	simm.s32 $0xC;
	s0 =	ssub.s32 s0, s23;
	s7 =	sadd.s32 $0x4000, s31  }
0x1c: {  	s23 =	simm.s32 $0x8000;
	s9 =	sadd.s32 $0x8000, s31;
	[dreg:$0xa] =	wrdreg s7  }
0x1d: {  	s5 =	simm.s32 $0x1;
	s11 =	sadd.s32 $0xC000, s31;
	[dreg:$0xc] =	wrdreg s9  }
0x1e: {  	s0 =	smax.u32 s0, $0x1;
	s13 =	sadd.s32 $0x10000, s31;
	[dreg:$0xe] =	wrdreg s11  }
0x1f: {  	p1 =	sne.s32 s0, $0x1;
	s15 =	sadd.s32 $0x14000, s31;
	[dreg:$0x10] =	wrdreg s13  }
0x20: {  	s0 =	sadd.s32 $0xFFFFFFFF, s0;
	s17 =	sadd.s32 $0x18000, s31;
	[dreg:$0x12] =	wrdreg s15  }
0x21: {  	s4 =	simm.s32 $0x8;
	s19 =	sadd.s32 $0x1C000, s31;
	[dreg:$0x14] =	wrdreg s17  }
0x22: {  	s3 =	simm.s32 $0x9;
	s21 =	sadd.s32 $0x20000, s31;
	[dreg:$0x16] =	wrdreg s19  }
0x23: {  	s24 =	sadd.s32 $0x24000, s31;
	s25 =	sadd.s32 $0x28000, s31;
	[dreg:$0x18] =	wrdreg s21  }
0x24: {  	s26 =	sadd.s32 $0x2C000, s31;
	s8 =	sadd.s32 $0x38000, s31;
	[dreg:$0x1a] =	wrdreg s24  }
.Ltmp0:
0x25: {  	s6 =	sadd.s32 $0x3C000, s31;
	[dreg:$0x1b] =	wrdreg s25;
	(pc) =	sbr.rel @!p1 .LBB2_3-.Ltmp0, $4  }
0x26: {  	[dreg:$0x1c] =	wrdreg s26;
	s11 =	sadd.s32 $0x30000, s31;
	s9 =	sadd.s32 $0x34000, s31  }
0x27: {  	s7 =	simm.s32 $0x4000;
	s21 =	simm.s32 $0x10000;
	s19 =	simm.s32 $0x18000  }
0x28: {  	s17 =	simm.s32 $0x2;
	s15 =	simm.s32 $0xA;
	s26 =	simm.s32 $0x4  }
0x29: {  	s13 =	simm.s32 $0xB;
	s25 =	simm.s32 $0x6;
	s24 =	simm.s32 $0x7  }
0x2a: {  	s1 =	rddreg [dreg:$0x3]  }
0x2b: {  	[tilespmem:s2], [sflag:$0x1] =	stream.linear.gather [hbm4b:s30+s2], $0x4000, $0x38;
	[tilespmem:$0x1C000] =	vst v63  }
0x2c: {  	[dreg:$0x1d] =	wrdreg s0  }
0x2d: {  	[tilespmem:s7], [sflag:$0x2] =	stream.linear.gather [hbm4b:s1+s2], $0x4000, $0x38;
	[tilespmem:$0x1C000] =	vst v63  }
0x2e: {  	s0 =	rddreg [dreg:$0x4]  }
0x2f: {  	[tilespmem:s23], [sflag:$0x3] =	stream.linear.gather [hbm4b:s0+s2], $0x4000, $0x38;
	[tilespmem:$0x1C000] =	vst v63  }
0x30: {  	s1 =	rddreg [dreg:$0x5]  }
0x31: {  	[tilespmem:s22], [sflag:$0x4] =	stream.linear.gather [hbm4b:s1+s2], $0x4000, $0x38;
	[tilespmem:$0x1C000] =	vst v63  }
0x32: {  	s0 =	rddreg [dreg:$0x6]  }
0x33: {  	[tilespmem:s21], [sflag:$0x5] =	stream.linear.gather [hbm4b:s0+s2], $0x4000, $0x38;
	[tilespmem:$0x1C000] =	vst v63  }
0x34: {  	s1 =	rddreg [dreg:$0x7]  }
0x35: {  	[tilespmem:s20], [sflag:$0x6] =	stream.linear.gather [hbm4b:s1+s2], $0x4000, $0x38;
	[tilespmem:$0x1C000] =	vst v63  }
0x36: {  	s0 =	rddreg [dreg:$0x8]  }
0x37: {  	[tilespmem:s19], [sflag:$0x7] =	stream.linear.gather [hbm4b:s0+s2], $0x4000, $0x38;
	[tilespmem:$0x1C000] =	vst v63  }
0x38: {  	_ =	swait.ge [sflag:s5], $0x4000  }
0x39: {  	[sflag:s5] =	ssyncset.done $0x0  }
0x3a: {  	[sflag:s5] =	ssyncadd.s32 $0xFFFFC000  }
0x3b: {  	[hbm4b:s31+s10] =	stream.strided.scatter [tilespmem:s2], [sflag:$0x8], $0x4000, s12, s10, $0x38;
	[tilespmem:$0x1C000] =	vst v63  }
0x3c: {  	_ =	swait.ge [sflag:s4], $0x4000  }
0x3d: {  	[sflag:s4] =	ssyncset.done $0x0  }
0x3e: {  	s1 =	rddreg [dreg:$0x9];
	[sflag:s4] =	ssyncadd.s32 $0xFFFFC000  }
0x3f: {  	[tilespmem:s2], [sflag:$0x1] =	stream.linear.gather [hbm4b:s1+s2], $0x4000, $0x38;
	[tilespmem:$0x1C000] =	vst v63  }
0x40: {  	_ =	swait.ge [sflag:s17], $0x4000  }
0x41: {  	[sflag:s17] =	ssyncset.done $0x0  }
0x42: {  	s1 =	rddreg [dreg:$0xa];
	[sflag:s17] =	ssyncadd.s32 $0xFFFFC000  }
0x43: {  	[hbm4b:s1+s10] =	stream.strided.scatter [tilespmem:s7], [sflag:$0x9], $0x4000, s12, s10, $0x38;
	[tilespmem:$0x1C000] =	vst v63  }
0x44: {  	_ =	swait.ge [sflag:s3], $0x4000  }
0x45: {  	[sflag:s3] =	ssyncset.done $0x0  }
0x46: {  	s1 =	rddreg [dreg:$0xb];
	[sflag:s3] =	ssyncadd.s32 $0xFFFFC000  }
0x47: {  	[tilespmem:s7], [sflag:$0x2] =	stream.linear.gather [hbm4b:s1+s2], $0x4000, $0x38;
	[tilespmem:$0x1C000] =	vst v63  }
0x48: {  	_ =	swait.ge [sflag:s29], $0x4000  }
0x49: {  	[sflag:s29] =	ssyncset.done $0x0  }
0x4a: {  	s1 =	rddreg [dreg:$0xc];
	[sflag:s29] =	ssyncadd.s32 $0xFFFFC000  }
0x4b: {  	[hbm4b:s1+s10] =	stream.strided.scatter [tilespmem:s23], [sflag:$0xA], $0x4000, s12, s10, $0x38;
	[tilespmem:$0x1C000] =	vst v63  }
0x4c: {  	_ =	swait.ge [sflag:s15], $0x4000  }
0x4d: {  	[sflag:s15] =	ssyncset.done $0x0  }
0x4e: {  	s1 =	rddreg [dreg:$0xd];
	[sflag:s15] =	ssyncadd.s32 $0xFFFFC000  }
0x4f: {  	[tilespmem:s23], [sflag:$0x3] =	stream.linear.gather [hbm4b:s1+s2], $0x4000, $0x38;
	[tilespmem:$0x1C000] =	vst v63  }
0x50: {  	_ =	swait.ge [sflag:s26], $0x4000  }
0x51: {  	[sflag:s26] =	ssyncset.done $0x0  }
0x52: {  	s1 =	rddreg [dreg:$0xe];
	[sflag:s26] =	ssyncadd.s32 $0xFFFFC000  }
0x53: {  	[hbm4b:s1+s10] =	stream.strided.scatter [tilespmem:s22], [sflag:$0xB], $0x4000, s12, s10, $0x38;
	[tilespmem:$0x1C000] =	vst v63  }
0x54: {  	_ =	swait.ge [sflag:s13], $0x4000  }
0x55: {  	[sflag:s13] =	ssyncset.done $0x0  }
0x56: {  	s1 =	rddreg [dreg:$0xf];
	[sflag:s13] =	ssyncadd.s32 $0xFFFFC000  }
0x57: {  	[tilespmem:s22], [sflag:$0x4] =	stream.linear.gather [hbm4b:s1+s2], $0x4000, $0x38;
	[tilespmem:$0x1C000] =	vst v63  }
0x58: {  	_ =	swait.ge [sflag:s28], $0x4000  }
0x59: {  	[sflag:s28] =	ssyncset.done $0x0  }
0x5a: {  	s1 =	rddreg [dreg:$0x10];
	[sflag:s28] =	ssyncadd.s32 $0xFFFFC000  }
0x5b: {  	[hbm4b:s1+s10] =	stream.strided.scatter [tilespmem:s21], [sflag:$0xC], $0x4000, s12, s10, $0x38;
	[tilespmem:$0x1C000] =	vst v63  }
0x5c: {  	_ =	swait.ge [sflag:s18], $0x4000  }
0x5d: {  	[sflag:s18] =	ssyncset.done $0x0  }
0x5e: {  	s1 =	rddreg [dreg:$0x11];
	[sflag:s18] =	ssyncadd.s32 $0xFFFFC000  }
0x5f: {  	[tilespmem:s21], [sflag:$0x5] =	stream.linear.gather [hbm4b:s1+s2], $0x4000, $0x38;
	[tilespmem:$0x1C000] =	vst v63  }
0x60: {  	_ =	swait.ge [sflag:s25], $0x4000  }
0x61: {  	[sflag:s25] =	ssyncset.done $0x0  }
0x62: {  	s1 =	rddreg [dreg:$0x12];
	[sflag:s25] =	ssyncadd.s32 $0xFFFFC000  }
0x63: {  	[hbm4b:s1+s10] =	stream.strided.scatter [tilespmem:s20], [sflag:$0xD], $0x4000, s12, s10, $0x38;
	[tilespmem:$0x1C000] =	vst v63  }
0x64: {  	_ =	swait.ge [sflag:s16], $0x4000  }
0x65: {  	[sflag:s16] =	ssyncset.done $0x0  }
0x66: {  	s1 =	rddreg [dreg:$0x13];
	[sflag:s16] =	ssyncadd.s32 $0xFFFFC000  }
0x67: {  	[tilespmem:s20], [sflag:$0x6] =	stream.linear.gather [hbm4b:s1+s2], $0x4000, $0x38;
	[tilespmem:$0x1C000] =	vst v63  }
0x68: {  	_ =	swait.ge [sflag:s24], $0x4000  }
0x69: {  	[sflag:s24] =	ssyncset.done $0x0  }
0x6a: {  	s1 =	rddreg [dreg:$0x14];
	[sflag:s24] =	ssyncadd.s32 $0xFFFFC000  }
0x6b: {  	[hbm4b:s1+s10] =	stream.strided.scatter [tilespmem:s19], [sflag:$0xE], $0x4000, s12, s10, $0x38;
	[tilespmem:$0x1C000] =	vst v63  }
0x6c: {  	_ =	swait.ge [sflag:s14], $0x4000  }
0x6d: {  	[sflag:s14] =	ssyncset.done $0x0  }
0x6e: {  	s1 =	rddreg [dreg:$0x15];
	[sflag:s14] =	ssyncadd.s32 $0xFFFFC000  }
0x6f: {  	[tilespmem:s19], [sflag:$0x7] =	stream.linear.gather [hbm4b:s1+s2], $0x4000, $0x38;
	[tilespmem:$0x1C000] =	vst v63  }
0x70: {  	_ =	swait.ge [sflag:s5], $0x4000  }
0x71: {  	[sflag:s5] =	ssyncset.done $0x0  }
0x72: {  	s1 =	rddreg [dreg:$0x16];
	[sflag:s5] =	ssyncadd.s32 $0xFFFFC000  }
0x73: {  	[hbm4b:s1+s10] =	stream.strided.scatter [tilespmem:s2], [sflag:$0x8], $0x4000, s12, s10, $0x38;
	[tilespmem:$0x1C000] =	vst v63  }
0x74: {  	_ =	swait.ge [sflag:s4], $0x4000  }
0x75: {  	[sflag:s4] =	ssyncset.done $0x0  }
0x76: {  	s1 =	rddreg [dreg:$0x17];
	[sflag:s4] =	ssyncadd.s32 $0xFFFFC000  }
0x77: {  	[tilespmem:s2], [sflag:$0x1] =	stream.linear.gather [hbm4b:s1+s2], $0x4000, $0x38;
	[tilespmem:$0x1C000] =	vst v63  }
0x78: {  	_ =	swait.ge [sflag:s17], $0x4000  }
0x79: {  	[sflag:s17] =	ssyncset.done $0x0  }
0x7a: {  	s1 =	rddreg [dreg:$0x18];
	[sflag:s17] =	ssyncadd.s32 $0xFFFFC000  }
0x7b: {  	[hbm4b:s1+s10] =	stream.strided.scatter [tilespmem:s7], [sflag:$0x9], $0x4000, s12, s10, $0x38;
	[tilespmem:$0x1C000] =	vst v63  }
0x7c: {  	_ =	swait.ge [sflag:s3], $0x4000  }
0x7d: {  	[sflag:s3] =	ssyncset.done $0x0  }
0x7e: {  	s1 =	rddreg [dreg:$0x19];
	[sflag:s3] =	ssyncadd.s32 $0xFFFFC000  }
0x7f: {  	[tilespmem:s7], [sflag:$0x2] =	stream.linear.gather [hbm4b:s1+s2], $0x4000, $0x38;
	[tilespmem:$0x1C000] =	vst v63  }
0x80: {  	_ =	swait.ge [sflag:s29], $0x4000  }
0x81: {  	[sflag:s29] =	ssyncset.done $0x0  }
0x82: {  	s1 =	rddreg [dreg:$0x1a];
	[sflag:s29] =	ssyncadd.s32 $0xFFFFC000  }
0x83: {  	[hbm4b:s1+s10] =	stream.strided.scatter [tilespmem:s23], [sflag:$0xA], $0x4000, s12, s10, $0x38;
	[tilespmem:$0x1C000] =	vst v63  }
0x84: {  	_ =	swait.ge [sflag:s26], $0x4000  }
0x85: {  	[sflag:s26] =	ssyncset.done $0x0  }
0x86: {  	s1 =	rddreg [dreg:$0x1b];
	[sflag:s26] =	ssyncadd.s32 $0xFFFFC000  }
0x87: {  	[hbm4b:s1+s10] =	stream.strided.scatter [tilespmem:s22], [sflag:$0xB], $0x4000, s12, s10, $0x38;
	[tilespmem:$0x1C000] =	vst v63  }
0x88: {  	_ =	swait.ge [sflag:s28], $0x4000  }
0x89: {  	[sflag:s28] =	ssyncset.done $0x0  }
0x8a: {  	s1 =	rddreg [dreg:$0x1c];
	[sflag:s28] =	ssyncadd.s32 $0xFFFFC000  }
0x8b: {  	[hbm4b:s1+s10] =	stream.strided.scatter [tilespmem:s21], [sflag:$0xC], $0x4000, s12, s10, $0x38;
	[tilespmem:$0x1C000] =	vst v63  }
0x8c: {  	_ =	swait.ge [sflag:s25], $0x4000  }
0x8d: {  	[sflag:s25] =	ssyncset.done $0x0  }
0x8e: {  	[sflag:s25] =	ssyncadd.s32 $0xFFFFC000  }
0x8f: {  	[hbm4b:s11+s10] =	stream.strided.scatter [tilespmem:s20], [sflag:$0xD], $0x4000, s12, s10, $0x38;
	[tilespmem:$0x1C000] =	vst v63  }
0x90: {  	_ =	swait.ge [sflag:s24], $0x4000  }
0x91: {  	[sflag:s24] =	ssyncset.done $0x0  }
0x92: {  	[sflag:s24] =	ssyncadd.s32 $0xFFFFC000  }
0x93: {  	[hbm4b:s9+s10] =	stream.strided.scatter [tilespmem:s19], [sflag:$0xE], $0x4000, s12, s10, $0x38;
	[tilespmem:$0x1C000] =	vst v63  }
0x94: {  	_ =	swait.ge [sflag:s5], $0x4000  }
0x95: {  	[sflag:s5] =	ssyncset.done $0x0  }
0x96: {  	[sflag:s5] =	ssyncadd.s32 $0xFFFFC000  }
0x97: {  	[hbm4b:s8+s10] =	stream.strided.scatter [tilespmem:s2], [sflag:$0x8], $0x4000, s12, s10, $0x38;
	[tilespmem:$0x1C000] =	vst v63  }
0x98: {  	_ =	swait.ge [sflag:s17], $0x4000  }
0x99: {  	[sflag:s17] =	ssyncset.done $0x0  }
0x9a: {  	[sflag:s17] =	ssyncadd.s32 $0xFFFFC000  }
0x9b: {  	[hbm4b:s6+s10] =	stream.strided.scatter [tilespmem:s7], [sflag:$0x9], $0x4000, s12, s10, $0x38;
	[tilespmem:$0x1C000] =	vst v63  }
0x9c: {  	_ =	swait.ge [sflag:s15], $0x4000  }
0x9d: {  	[sflag:s15] =	ssyncset.done $0x0  }
0x9e: {  	[sflag:s15] =	ssyncadd.s32 $0xFFFFC000  }
0x9f: {  	_ =	swait.ge [sflag:s13], $0x4000  }
0xa0: {  	[sflag:s13] =	ssyncset.done $0x0  }
0xa1: {  	[sflag:s13] =	ssyncadd.s32 $0xFFFFC000  }
0xa2: {  	_ =	swait.ge [sflag:s18], $0x4000  }
0xa3: {  	[sflag:s18] =	ssyncset.done $0x0  }
0xa4: {  	[sflag:s18] =	ssyncadd.s32 $0xFFFFC000  }
0xa5: {  	_ =	swait.ge [sflag:s16], $0x4000  }
0xa6: {  	[sflag:s16] =	ssyncset.done $0x0  }
0xa7: {  	[sflag:s16] =	ssyncadd.s32 $0xFFFFC000  }
0xa8: {  	_ =	swait.ge [sflag:s14], $0x4000  }
0xa9: {  	[sflag:s14] =	ssyncset.done $0x0  }
0xaa: {  	[sflag:s14] =	ssyncadd.s32 $0xFFFFC000  }
0xab: {  	_ =	swait.ge [sflag:s4], $0x4000  }
0xac: {  	s1 =	rddreg [dreg:$0x1d]  }
0xad: {  	p1 =	sne.s32 s1, $0x1  }
.Ltmp1:
0xae: {  	_ = 	snop;
	(pc) =	sbr.rel @!p1 .LBB2_3-.Ltmp1, $4  }
0xaf: {  	[sflag:s4] =	ssyncset.done $0x0  }
0xb0: {  	[sflag:s4] =	ssyncadd.s32 $0xFFFFC000  }
0xb1: {  	_ =	swait.ge [sflag:s3], $0x4000  }
0xb2: {  	p0 =	por $0x1, $0x1;
	s0 =	sadd.s32 $0xFFFFFFFF, s1;
	[sflag:s3] =	ssyncset.done $0x0  }
.LBB2_2:
0xb3: {  	s1 =	rddreg [dreg:$0x3];
	[sflag:s3] =	ssyncadd.s32 $0xFFFFC000  }
0xb4: {  	s13 =	simm.s32 $0x4000;
	s7 =	simm.s32 $0x8000;
	s19 =	smov.u32 s31  }
0xb5: {  	[tilespmem:s2], [sflag:$0x1] =	stream.linear.gather [hbm4b:s30+s2], $0x4000, $0x38;
	[tilespmem:$0x1C000] =	vst v63  }
0xb6: {  	s31 =	smov.u32 s30;
	s30 =	smov.u32 s11;
	s11 =	smov.u32 s9  }
0xb7: {  	[tilespmem:s13], [sflag:$0x2] =	stream.linear.gather [hbm4b:s1+s2], $0x4000, $0x38;
	[tilespmem:$0x1C000] =	vst v63  }
0xb8: {  	s9 =	smov.u32 s8;
	s8 =	smov.u32 s6;
	s6 =	rddreg [dreg:$0x4]  }
0xb9: {  	[tilespmem:s7], [sflag:$0x3] =	stream.linear.gather [hbm4b:s6+s2], $0x4000, $0x38;
	[tilespmem:$0x1C000] =	vst v63  }
0xba: {  	s23 =	simm.s32 $0xC000;
	s1 =	rddreg [dreg:$0x5]  }
0xbb: {  	[tilespmem:s23], [sflag:$0x4] =	stream.linear.gather [hbm4b:s1+s2], $0x4000, $0x38;
	[tilespmem:$0x1C000] =	vst v63  }
0xbc: {  	s22 =	simm.s32 $0x10000;
	s6 =	rddreg [dreg:$0x6]  }
0xbd: {  	[tilespmem:s22], [sflag:$0x5] =	stream.linear.gather [hbm4b:s6+s2], $0x4000, $0x38;
	[tilespmem:$0x1C000] =	vst v63  }
0xbe: {  	s21 =	simm.s32 $0x14000;
	s1 =	rddreg [dreg:$0x7]  }
0xbf: {  	[tilespmem:s21], [sflag:$0x6] =	stream.linear.gather [hbm4b:s1+s2], $0x4000, $0x38;
	[tilespmem:$0x1C000] =	vst v63  }
0xc0: {  	s20 =	simm.s32 $0x18000;
	s6 =	rddreg [dreg:$0x8]  }
0xc1: {  	[tilespmem:s20], [sflag:$0x7] =	stream.linear.gather [hbm4b:s6+s2], $0x4000, $0x38;
	[tilespmem:$0x1C000] =	vst v63  }
0xc2: {  	s6 =	smov.u32 s8;
	s8 =	smov.u32 s9;
	_ =	swait.ge [sflag:s5], $0x4000  }
0xc3: {  	s9 =	smov.u32 s11;
	s11 =	smov.u32 s30;
	[sflag:s5] =	ssyncset.done $0x0  }
0xc4: {  	s30 =	smov.u32 s31;
	s31 =	smov.u32 s19;
	[sflag:s5] =	ssyncadd.s32 $0xFFFFC000  }
0xc5: {  	[hbm4b:s31+s10] =	stream.strided.scatter [tilespmem:s2], [sflag:$0x8], $0x4000, s12, s10, $0x38;
	[tilespmem:$0x1C000] =	vst v63  }
0xc6: {  	_ =	swait.ge [sflag:s4], $0x4000  }
0xc7: {  	[sflag:s4] =	ssyncset.done $0x0  }
0xc8: {  	s1 =	rddreg [dreg:$0x9];
	[sflag:s4] =	ssyncadd.s32 $0xFFFFC000  }
0xc9: {  	[tilespmem:s2], [sflag:$0x1] =	stream.linear.gather [hbm4b:s1+s2], $0x4000, $0x38;
	[tilespmem:$0x1C000] =	vst v63  }
0xca: {  	_ =	swait.ge [sflag:s17], $0x4000  }
0xcb: {  	[sflag:s17] =	ssyncset.done $0x0  }
0xcc: {  	s7 =	simm.s32 $0x4000;
	s1 =	rddreg [dreg:$0xa];
	[sflag:s17] =	ssyncadd.s32 $0xFFFFC000  }
0xcd: {  	[hbm4b:s1+s10] =	stream.strided.scatter [tilespmem:s7], [sflag:$0x9], $0x4000, s12, s10, $0x38;
	[tilespmem:$0x1C000] =	vst v63  }
0xce: {  	_ =	swait.ge [sflag:s3], $0x4000  }
0xcf: {  	[sflag:s3] =	ssyncset.done $0x0  }
0xd0: {  	s1 =	rddreg [dreg:$0xb];
	[sflag:s3] =	ssyncadd.s32 $0xFFFFC000  }
0xd1: {  	[tilespmem:s7], [sflag:$0x2] =	stream.linear.gather [hbm4b:s1+s2], $0x4000, $0x38;
	[tilespmem:$0x1C000] =	vst v63  }
0xd2: {  	_ =	swait.ge [sflag:s29], $0x4000  }
0xd3: {  	[sflag:s29] =	ssyncset.done $0x0  }
0xd4: {  	s23 =	simm.s32 $0x8000;
	s1 =	rddreg [dreg:$0xc];
	[sflag:s29] =	ssyncadd.s32 $0xFFFFC000  }
0xd5: {  	[hbm4b:s1+s10] =	stream.strided.scatter [tilespmem:s23], [sflag:$0xA], $0x4000, s12, s10, $0x38;
	[tilespmem:$0x1C000] =	vst v63  }
0xd6: {  	_ =	swait.ge [sflag:s15], $0x4000  }
0xd7: {  	[sflag:s15] =	ssyncset.done $0x0  }
0xd8: {  	s1 =	rddreg [dreg:$0xd];
	[sflag:s15] =	ssyncadd.s32 $0xFFFFC000  }
0xd9: {  	[tilespmem:s23], [sflag:$0x3] =	stream.linear.gather [hbm4b:s1+s2], $0x4000, $0x38;
	[tilespmem:$0x1C000] =	vst v63  }
0xda: {  	_ =	swait.ge [sflag:s26], $0x4000  }
0xdb: {  	s13 =	simm.s32 $0xB;
	[sflag:s26] =	ssyncset.done $0x0  }
0xdc: {  	s22 =	simm.s32 $0xC000;
	s1 =	rddreg [dreg:$0xe];
	[sflag:s26] =	ssyncadd.s32 $0xFFFFC000  }
0xdd: {  	[hbm4b:s1+s10] =	stream.strided.scatter [tilespmem:s22], [sflag:$0xB], $0x4000, s12, s10, $0x38;
	[tilespmem:$0x1C000] =	vst v63  }
0xde: {  	_ =	swait.ge [sflag:s13], $0x4000  }
0xdf: {  	[sflag:s13] =	ssyncset.done $0x0  }
0xe0: {  	s1 =	rddreg [dreg:$0xf];
	[sflag:s13] =	ssyncadd.s32 $0xFFFFC000  }
0xe1: {  	[tilespmem:s22], [sflag:$0x4] =	stream.linear.gather [hbm4b:s1+s2], $0x4000, $0x38;
	[tilespmem:$0x1C000] =	vst v63  }
0xe2: {  	_ =	swait.ge [sflag:s28], $0x4000  }
0xe3: {  	[sflag:s28] =	ssyncset.done $0x0  }
0xe4: {  	s21 =	simm.s32 $0x10000;
	s1 =	rddreg [dreg:$0x10];
	[sflag:s28] =	ssyncadd.s32 $0xFFFFC000  }
0xe5: {  	[hbm4b:s1+s10] =	stream.strided.scatter [tilespmem:s21], [sflag:$0xC], $0x4000, s12, s10, $0x38;
	[tilespmem:$0x1C000] =	vst v63  }
0xe6: {  	_ =	swait.ge [sflag:s18], $0x4000  }
0xe7: {  	[sflag:s18] =	ssyncset.done $0x0  }
0xe8: {  	s1 =	rddreg [dreg:$0x11];
	[sflag:s18] =	ssyncadd.s32 $0xFFFFC000  }
0xe9: {  	[tilespmem:s21], [sflag:$0x5] =	stream.linear.gather [hbm4b:s1+s2], $0x4000, $0x38;
	[tilespmem:$0x1C000] =	vst v63  }
0xea: {  	_ =	swait.ge [sflag:s25], $0x4000  }
0xeb: {  	[sflag:s25] =	ssyncset.done $0x0  }
0xec: {  	s20 =	simm.s32 $0x14000;
	s1 =	rddreg [dreg:$0x12];
	[sflag:s25] =	ssyncadd.s32 $0xFFFFC000  }
0xed: {  	[hbm4b:s1+s10] =	stream.strided.scatter [tilespmem:s20], [sflag:$0xD], $0x4000, s12, s10, $0x38;
	[tilespmem:$0x1C000] =	vst v63  }
0xee: {  	_ =	swait.ge [sflag:s16], $0x4000  }
0xef: {  	[sflag:s16] =	ssyncset.done $0x0  }
0xf0: {  	s1 =	rddreg [dreg:$0x13];
	[sflag:s16] =	ssyncadd.s32 $0xFFFFC000  }
0xf1: {  	[tilespmem:s20], [sflag:$0x6] =	stream.linear.gather [hbm4b:s1+s2], $0x4000, $0x38;
	[tilespmem:$0x1C000] =	vst v63  }
0xf2: {  	_ =	swait.ge [sflag:s24], $0x4000  }
0xf3: {  	[sflag:s24] =	ssyncset.done $0x0  }
0xf4: {  	s19 =	simm.s32 $0x18000;
	s1 =	rddreg [dreg:$0x14];
	[sflag:s24] =	ssyncadd.s32 $0xFFFFC000  }
0xf5: {  	[hbm4b:s1+s10] =	stream.strided.scatter [tilespmem:s19], [sflag:$0xE], $0x4000, s12, s10, $0x38;
	[tilespmem:$0x1C000] =	vst v63  }
0xf6: {  	_ =	swait.ge [sflag:s14], $0x4000  }
0xf7: {  	[sflag:s14] =	ssyncset.done $0x0  }
0xf8: {  	s1 =	rddreg [dreg:$0x15];
	[sflag:s14] =	ssyncadd.s32 $0xFFFFC000  }
0xf9: {  	[tilespmem:s19], [sflag:$0x7] =	stream.linear.gather [hbm4b:s1+s2], $0x4000, $0x38;
	[tilespmem:$0x1C000] =	vst v63  }
0xfa: {  	_ =	swait.ge [sflag:s5], $0x4000  }
0xfb: {  	[sflag:s5] =	ssyncset.done $0x0  }
0xfc: {  	s1 =	rddreg [dreg:$0x16];
	[sflag:s5] =	ssyncadd.s32 $0xFFFFC000  }
0xfd: {  	[hbm4b:s1+s10] =	stream.strided.scatter [tilespmem:s2], [sflag:$0x8], $0x4000, s12, s10, $0x38;
	[tilespmem:$0x1C000] =	vst v63  }
0xfe: {  	_ =	swait.ge [sflag:s4], $0x4000  }
0xff: {  	[sflag:s4] =	ssyncset.done $0x0  }
0x100: {  	s1 =	rddreg [dreg:$0x17];
	[sflag:s4] =	ssyncadd.s32 $0xFFFFC000  }
0x101: {  	[tilespmem:s2], [sflag:$0x1] =	stream.linear.gather [hbm4b:s1+s2], $0x4000, $0x38;
	[tilespmem:$0x1C000] =	vst v63  }
0x102: {  	_ =	swait.ge [sflag:s17], $0x4000  }
0x103: {  	[sflag:s17] =	ssyncset.done $0x0  }
0x104: {  	s1 =	rddreg [dreg:$0x18];
	[sflag:s17] =	ssyncadd.s32 $0xFFFFC000  }
0x105: {  	[hbm4b:s1+s10] =	stream.strided.scatter [tilespmem:s7], [sflag:$0x9], $0x4000, s12, s10, $0x38;
	[tilespmem:$0x1C000] =	vst v63  }
0x106: {  	_ =	swait.ge [sflag:s3], $0x4000  }
0x107: {  	[sflag:s3] =	ssyncset.done $0x0  }
0x108: {  	s1 =	rddreg [dreg:$0x19];
	[sflag:s3] =	ssyncadd.s32 $0xFFFFC000  }
0x109: {  	[tilespmem:s7], [sflag:$0x2] =	stream.linear.gather [hbm4b:s1+s2], $0x4000, $0x38;
	[tilespmem:$0x1C000] =	vst v63  }
0x10a: {  	_ =	swait.ge [sflag:s29], $0x4000  }
0x10b: {  	[sflag:s29] =	ssyncset.done $0x0  }
0x10c: {  	s1 =	rddreg [dreg:$0x1a];
	[sflag:s29] =	ssyncadd.s32 $0xFFFFC000  }
0x10d: {  	[hbm4b:s1+s10] =	stream.strided.scatter [tilespmem:s23], [sflag:$0xA], $0x4000, s12, s10, $0x38;
	[tilespmem:$0x1C000] =	vst v63  }
0x10e: {  	_ =	swait.ge [sflag:s26], $0x4000  }
0x10f: {  	[sflag:s26] =	ssyncset.done $0x0  }
0x110: {  	s1 =	rddreg [dreg:$0x1b];
	[sflag:s26] =	ssyncadd.s32 $0xFFFFC000  }
0x111: {  	[hbm4b:s1+s10] =	stream.strided.scatter [tilespmem:s22], [sflag:$0xB], $0x4000, s12, s10, $0x38;
	[tilespmem:$0x1C000] =	vst v63  }
0x112: {  	_ =	swait.ge [sflag:s28], $0x4000  }
0x113: {  	[sflag:s28] =	ssyncset.done $0x0  }
0x114: {  	s1 =	rddreg [dreg:$0x1c];
	[sflag:s28] =	ssyncadd.s32 $0xFFFFC000  }
0x115: {  	[hbm4b:s1+s10] =	stream.strided.scatter [tilespmem:s21], [sflag:$0xC], $0x4000, s12, s10, $0x38;
	[tilespmem:$0x1C000] =	vst v63  }
0x116: {  	_ =	swait.ge [sflag:s25], $0x4000  }
0x117: {  	[sflag:s25] =	ssyncset.done $0x0  }
0x118: {  	[sflag:s25] =	ssyncadd.s32 $0xFFFFC000  }
0x119: {  	[hbm4b:s11+s10] =	stream.strided.scatter [tilespmem:s20], [sflag:$0xD], $0x4000, s12, s10, $0x38;
	[tilespmem:$0x1C000] =	vst v63  }
0x11a: {  	_ =	swait.ge [sflag:s24], $0x4000  }
0x11b: {  	[sflag:s24] =	ssyncset.done $0x0  }
0x11c: {  	[sflag:s24] =	ssyncadd.s32 $0xFFFFC000  }
0x11d: {  	[hbm4b:s9+s10] =	stream.strided.scatter [tilespmem:s19], [sflag:$0xE], $0x4000, s12, s10, $0x38;
	[tilespmem:$0x1C000] =	vst v63  }
0x11e: {  	_ =	swait.ge [sflag:s5], $0x4000  }
0x11f: {  	[sflag:s5] =	ssyncset.done $0x0  }
0x120: {  	[sflag:s5] =	ssyncadd.s32 $0xFFFFC000  }
0x121: {  	[hbm4b:s8+s10] =	stream.strided.scatter [tilespmem:s2], [sflag:$0x8], $0x4000, s12, s10, $0x38;
	[tilespmem:$0x1C000] =	vst v63  }
0x122: {  	_ =	swait.ge [sflag:s17], $0x4000  }
0x123: {  	[sflag:s17] =	ssyncset.done $0x0  }
0x124: {  	[sflag:s17] =	ssyncadd.s32 $0xFFFFC000  }
0x125: {  	[hbm4b:s6+s10] =	stream.strided.scatter [tilespmem:s7], [sflag:$0x9], $0x4000, s12, s10, $0x38;
	[tilespmem:$0x1C000] =	vst v63  }
0x126: {  	_ =	swait.ge [sflag:s15], $0x4000  }
0x127: {  	[sflag:s15] =	ssyncset.done $0x0  }
0x128: {  	[sflag:s15] =	ssyncadd.s32 $0xFFFFC000  }
0x129: {  	_ =	swait.ge [sflag:s13], $0x4000  }
0x12a: {  	[sflag:s13] =	ssyncset.done $0x0  }
0x12b: {  	[sflag:s13] =	ssyncadd.s32 $0xFFFFC000  }
0x12c: {  	_ =	swait.ge [sflag:s18], $0x4000  }
0x12d: {  	[sflag:s18] =	ssyncset.done $0x0  }
0x12e: {  	[sflag:s18] =	ssyncadd.s32 $0xFFFFC000  }
0x12f: {  	_ =	swait.ge [sflag:s16], $0x4000  }
0x130: {  	[sflag:s16] =	ssyncset.done $0x0  }
0x131: {  	[sflag:s16] =	ssyncadd.s32 $0xFFFFC000  }
0x132: {  	_ =	swait.ge [sflag:s14], $0x4000  }
0x133: {  	[sflag:s14] =	ssyncset.done $0x0  }
0x134: {  	p1 =	sne.s32 s0, $0x1;
	[sflag:s14] =	ssyncadd.s32 $0xFFFFC000  }
.Ltmp2:
0x135: {  	_ =	swait.ge [sflag:s4], $0x4000;
	(pc) =	sbr.rel @p1 .LBB2_2-.Ltmp2, $4  }
0x136: {  	[sflag:s4] =	ssyncset.done $0x0  }
0x137: {  	[sflag:s4] =	ssyncadd.s32 $0xFFFFC000  }
0x138: {  	_ =	swait.ge [sflag:s3], $0x4000  }
0x139: {  	s0 =	sadd.s32 $0xFFFFFFFF, s0;
	[sflag:s3] =	ssyncset.done $0x0  }
.LBB2_3:
0x13a: {  	[sflag:s3] =	ssyncadd.s32 @p0 $0xFFFFC000  }
0x13b: {  	[tilespmem:s2], [sflag:$0x1] =	stream.linear.gather [hbm4b:s30+s2], $0x4000, $0x38;
	[tilespmem:$0x1C000] =	vst v63  }
0x13c: {  	s0 =	rddreg [dreg:$0x3]  }
0x13d: {  	[tilespmem:s7], [sflag:$0x2] =	stream.linear.gather [hbm4b:s0+s2], $0x4000, $0x38;
	[tilespmem:$0x1C000] =	vst v63  }
0x13e: {  	s1 =	rddreg [dreg:$0x4]  }
0x13f: {  	[tilespmem:s23], [sflag:$0x3] =	stream.linear.gather [hbm4b:s1+s2], $0x4000, $0x38;
	[tilespmem:$0x1C000] =	vst v63  }
0x140: {  	s0 =	rddreg [dreg:$0x5]  }
0x141: {  	[tilespmem:s22], [sflag:$0x4] =	stream.linear.gather [hbm4b:s0+s2], $0x4000, $0x38;
	[tilespmem:$0x1C000] =	vst v63  }
0x142: {  	s30 =	rddreg [dreg:$0x6]  }
0x143: {  	[tilespmem:s21], [sflag:$0x5] =	stream.linear.gather [hbm4b:s30+s2], $0x4000, $0x38;
	[tilespmem:$0x1C000] =	vst v63  }
0x144: {  	s0 =	rddreg [dreg:$0x7]  }
0x145: {  	[tilespmem:s20], [sflag:$0x6] =	stream.linear.gather [hbm4b:s0+s2], $0x4000, $0x38;
	[tilespmem:$0x1C000] =	vst v63  }
0x146: {  	s30 =	rddreg [dreg:$0x8]  }
0x147: {  	[tilespmem:s19], [sflag:$0x7] =	stream.linear.gather [hbm4b:s30+s2], $0x4000, $0x38;
	[tilespmem:$0x1C000] =	vst v63  }
0x148: {  	_ =	swait.ge [sflag:s5], $0x4000  }
0x149: {  	[sflag:s5] =	ssyncset.done $0x0  }
0x14a: {  	[sflag:s5] =	ssyncadd.s32 $0xFFFFC000  }
0x14b: {  	[hbm4b:s31+s10] =	stream.strided.scatter [tilespmem:s2], [sflag:$0x8], $0x4000, s12, s10, $0x38;
	[tilespmem:$0x1C000] =	vst v63  }
0x14c: {  	_ =	swait.ge [sflag:s4], $0x4000  }
0x14d: {  	[sflag:s4] =	ssyncset.done $0x0  }
0x14e: {  	s30 =	rddreg [dreg:$0x9];
	[sflag:s4] =	ssyncadd.s32 $0xFFFFC000  }
0x14f: {  	[tilespmem:s2], [sflag:$0x1] =	stream.linear.gather [hbm4b:s30+s2], $0x4000, $0x38;
	[tilespmem:$0x1C000] =	vst v63  }
0x150: {  	_ =	swait.ge [sflag:s17], $0x4000  }
0x151: {  	[sflag:s17] =	ssyncset.done $0x0  }
0x152: {  	s31 =	rddreg [dreg:$0xa];
	[sflag:s17] =	ssyncadd.s32 $0xFFFFC000  }
0x153: {  	[hbm4b:s31+s10] =	stream.strided.scatter [tilespmem:s7], [sflag:$0x9], $0x4000, s12, s10, $0x38;
	[tilespmem:$0x1C000] =	vst v63  }
0x154: {  	_ =	swait.ge [sflag:s3], $0x4000  }
0x155: {  	[sflag:s3] =	ssyncset.done $0x0  }
0x156: {  	s1 =	rddreg [dreg:$0xb];
	[sflag:s3] =	ssyncadd.s32 $0xFFFFC000  }
0x157: {  	[tilespmem:s7], [sflag:$0x2] =	stream.linear.gather [hbm4b:s1+s2], $0x4000, $0x38;
	[tilespmem:$0x1C000] =	vst v63  }
0x158: {  	_ =	swait.ge [sflag:s29], $0x4000  }
0x159: {  	[sflag:s29] =	ssyncset.done $0x0  }
0x15a: {  	s30 =	rddreg [dreg:$0xc];
	[sflag:s29] =	ssyncadd.s32 $0xFFFFC000  }
0x15b: {  	[hbm4b:s30+s10] =	stream.strided.scatter [tilespmem:s23], [sflag:$0xA], $0x4000, s12, s10, $0x38;
	[tilespmem:$0x1C000] =	vst v63  }
0x15c: {  	_ =	swait.ge [sflag:s15], $0x4000  }
0x15d: {  	[sflag:s15] =	ssyncset.done $0x0  }
0x15e: {  	s31 =	rddreg [dreg:$0xd];
	[sflag:s15] =	ssyncadd.s32 $0xFFFFC000  }
0x15f: {  	[tilespmem:s23], [sflag:$0x3] =	stream.linear.gather [hbm4b:s31+s2], $0x4000, $0x38;
	[tilespmem:$0x1C000] =	vst v63  }
0x160: {  	_ =	swait.ge [sflag:s26], $0x4000  }
0x161: {  	[sflag:s26] =	ssyncset.done $0x0  }
0x162: {  	s1 =	rddreg [dreg:$0xe];
	[sflag:s26] =	ssyncadd.s32 $0xFFFFC000  }
0x163: {  	[hbm4b:s1+s10] =	stream.strided.scatter [tilespmem:s22], [sflag:$0xB], $0x4000, s12, s10, $0x38;
	[tilespmem:$0x1C000] =	vst v63  }
0x164: {  	_ =	swait.ge [sflag:s13], $0x4000  }
0x165: {  	[sflag:s13] =	ssyncset.done $0x0  }
0x166: {  	s30 =	rddreg [dreg:$0xf];
	[sflag:s13] =	ssyncadd.s32 $0xFFFFC000  }
0x167: {  	[tilespmem:s22], [sflag:$0x4] =	stream.linear.gather [hbm4b:s30+s2], $0x4000, $0x38;
	[tilespmem:$0x1C000] =	vst v63  }
0x168: {  	_ =	swait.ge [sflag:s28], $0x4000  }
0x169: {  	[sflag:s28] =	ssyncset.done $0x0  }
0x16a: {  	s31 =	rddreg [dreg:$0x10];
	[sflag:s28] =	ssyncadd.s32 $0xFFFFC000  }
0x16b: {  	[hbm4b:s31+s10] =	stream.strided.scatter [tilespmem:s21], [sflag:$0xC], $0x4000, s12, s10, $0x38;
	[tilespmem:$0x1C000] =	vst v63  }
0x16c: {  	_ =	swait.ge [sflag:s18], $0x4000  }
0x16d: {  	[sflag:s18] =	ssyncset.done $0x0  }
0x16e: {  	s1 =	rddreg [dreg:$0x11];
	[sflag:s18] =	ssyncadd.s32 $0xFFFFC000  }
0x16f: {  	[tilespmem:s21], [sflag:$0x5] =	stream.linear.gather [hbm4b:s1+s2], $0x4000, $0x38;
	[tilespmem:$0x1C000] =	vst v63  }
0x170: {  	_ =	swait.ge [sflag:s25], $0x4000  }
0x171: {  	[sflag:s25] =	ssyncset.done $0x0  }
0x172: {  	s30 =	rddreg [dreg:$0x12];
	[sflag:s25] =	ssyncadd.s32 $0xFFFFC000  }
0x173: {  	[hbm4b:s30+s10] =	stream.strided.scatter [tilespmem:s20], [sflag:$0xD], $0x4000, s12, s10, $0x38;
	[tilespmem:$0x1C000] =	vst v63  }
0x174: {  	_ =	swait.ge [sflag:s16], $0x4000  }
0x175: {  	[sflag:s16] =	ssyncset.done $0x0  }
0x176: {  	s31 =	rddreg [dreg:$0x13];
	[sflag:s16] =	ssyncadd.s32 $0xFFFFC000  }
0x177: {  	[tilespmem:s20], [sflag:$0x6] =	stream.linear.gather [hbm4b:s31+s2], $0x4000, $0x38;
	[tilespmem:$0x1C000] =	vst v63  }
0x178: {  	_ =	swait.ge [sflag:s24], $0x4000  }
0x179: {  	[sflag:s24] =	ssyncset.done $0x0  }
0x17a: {  	s1 =	rddreg [dreg:$0x14];
	[sflag:s24] =	ssyncadd.s32 $0xFFFFC000  }
0x17b: {  	[hbm4b:s1+s10] =	stream.strided.scatter [tilespmem:s19], [sflag:$0xE], $0x4000, s12, s10, $0x38;
	[tilespmem:$0x1C000] =	vst v63  }
0x17c: {  	_ =	swait.ge [sflag:s14], $0x4000  }
0x17d: {  	[sflag:s14] =	ssyncset.done $0x0  }
0x17e: {  	s30 =	rddreg [dreg:$0x15];
	[sflag:s14] =	ssyncadd.s32 $0xFFFFC000  }
0x17f: {  	[tilespmem:s19], [sflag:$0x7] =	stream.linear.gather [hbm4b:s30+s2], $0x4000, $0x38;
	[tilespmem:$0x1C000] =	vst v63  }
0x180: {  	_ =	swait.ge [sflag:s5], $0x4000  }
0x181: {  	[sflag:s5] =	ssyncset.done $0x0  }
0x182: {  	s31 =	rddreg [dreg:$0x16];
	[sflag:s5] =	ssyncadd.s32 $0xFFFFC000  }
0x183: {  	[hbm4b:s31+s10] =	stream.strided.scatter [tilespmem:s2], [sflag:$0x8], $0x4000, s12, s10, $0x38;
	[tilespmem:$0x1C000] =	vst v63  }
0x184: {  	_ =	swait.ge [sflag:s4], $0x4000  }
0x185: {  	[sflag:s4] =	ssyncset.done $0x0  }
0x186: {  	s1 =	rddreg [dreg:$0x17];
	[sflag:s4] =	ssyncadd.s32 $0xFFFFC000  }
0x187: {  	[tilespmem:s2], [sflag:$0x1] =	stream.linear.gather [hbm4b:s1+s2], $0x4000, $0x38;
	[tilespmem:$0x1C000] =	vst v63  }
0x188: {  	_ =	swait.ge [sflag:s17], $0x4000  }
0x189: {  	[sflag:s17] =	ssyncset.done $0x0  }
0x18a: {  	s30 =	rddreg [dreg:$0x18];
	[sflag:s17] =	ssyncadd.s32 $0xFFFFC000  }
0x18b: {  	[hbm4b:s30+s10] =	stream.strided.scatter [tilespmem:s7], [sflag:$0x9], $0x4000, s12, s10, $0x38;
	[tilespmem:$0x1C000] =	vst v63  }
0x18c: {  	_ =	swait.ge [sflag:s3], $0x4000  }
0x18d: {  	[sflag:s3] =	ssyncset.done $0x0  }
0x18e: {  	s31 =	rddreg [dreg:$0x19];
	[sflag:s3] =	ssyncadd.s32 $0xFFFFC000  }
0x18f: {  	[tilespmem:s7], [sflag:$0x2] =	stream.linear.gather [hbm4b:s31+s2], $0x4000, $0x38;
	[tilespmem:$0x1C000] =	vst v63  }
0x190: {  	_ =	swait.ge [sflag:s29], $0x4000  }
0x191: {  	[sflag:s29] =	ssyncset.done $0x0  }
0x192: {  	s1 =	rddreg [dreg:$0x1a];
	[sflag:s29] =	ssyncadd.s32 $0xFFFFC000  }
0x193: {  	[hbm4b:s1+s10] =	stream.strided.scatter [tilespmem:s23], [sflag:$0xA], $0x4000, s12, s10, $0x38;
	[tilespmem:$0x1C000] =	vst v63  }
0x194: {  	_ =	swait.ge [sflag:s26], $0x4000  }
0x195: {  	[sflag:s26] =	ssyncset.done $0x0  }
0x196: {  	s29 =	rddreg [dreg:$0x1b];
	[sflag:s26] =	ssyncadd.s32 $0xFFFFC000  }
0x197: {  	[hbm4b:s29+s10] =	stream.strided.scatter [tilespmem:s22], [sflag:$0xB], $0x4000, s12, s10, $0x38;
	[tilespmem:$0x1C000] =	vst v63  }
0x198: {  	_ =	swait.ge [sflag:s28], $0x4000  }
0x199: {  	[sflag:s28] =	ssyncset.done $0x0  }
0x19a: {  	s30 =	rddreg [dreg:$0x1c];
	[sflag:s28] =	ssyncadd.s32 $0xFFFFC000  }
0x19b: {  	[hbm4b:s30+s10] =	stream.strided.scatter [tilespmem:s21], [sflag:$0xC], $0x4000, s12, s10, $0x38;
	[tilespmem:$0x1C000] =	vst v63  }
0x19c: {  	_ =	swait.ge [sflag:s25], $0x4000  }
0x19d: {  	[sflag:s25] =	ssyncset.done $0x0  }
0x19e: {  	[sflag:s25] =	ssyncadd.s32 $0xFFFFC000  }
0x19f: {  	[hbm4b:s11+s10] =	stream.strided.scatter [tilespmem:s20], [sflag:$0xD], $0x4000, s12, s10, $0x38;
	[tilespmem:$0x1C000] =	vst v63  }
0x1a0: {  	_ =	swait.ge [sflag:s24], $0x4000  }
0x1a1: {  	[sflag:s24] =	ssyncset.done $0x0  }
0x1a2: {  	[sflag:s24] =	ssyncadd.s32 $0xFFFFC000  }
0x1a3: {  	[hbm4b:s9+s10] =	stream.strided.scatter [tilespmem:s19], [sflag:$0xE], $0x4000, s12, s10, $0x38;
	[tilespmem:$0x1C000] =	vst v63  }
0x1a4: {  	_ =	swait.ge [sflag:s5], $0x4000  }
0x1a5: {  	[sflag:s5] =	ssyncset.done $0x0  }
0x1a6: {  	[sflag:s5] =	ssyncadd.s32 $0xFFFFC000  }
0x1a7: {  	[hbm4b:s8+s10] =	stream.strided.scatter [tilespmem:s2], [sflag:$0x8], $0x4000, s12, s10, $0x38;
	[tilespmem:$0x1C000] =	vst v63  }
0x1a8: {  	_ =	swait.ge [sflag:s17], $0x4000  }
0x1a9: {  	[sflag:s17] =	ssyncset.done $0x0  }
0x1aa: {  	[sflag:s17] =	ssyncadd.s32 $0xFFFFC000  }
0x1ab: {  	[hbm4b:s6+s10] =	stream.strided.scatter [tilespmem:s7], [sflag:$0x9], $0x4000, s12, s10, $0x38;
	[tilespmem:$0x1C000] =	vst v63  }
0x1ac: {  	_ =	swait.ge [sflag:s15], $0x4000  }
0x1ad: {  	[sflag:s15] =	ssyncset.done $0x0  }
0x1ae: {  	[sflag:s15] =	ssyncadd.s32 $0xFFFFC000  }
0x1af: {  	_ =	swait.ge [sflag:s13], $0x4000  }
0x1b0: {  	[sflag:s13] =	ssyncset.done $0x0  }
0x1b1: {  	[sflag:s13] =	ssyncadd.s32 $0xFFFFC000  }
0x1b2: {  	_ =	swait.ge [sflag:s18], $0x4000  }
0x1b3: {  	[sflag:s18] =	ssyncset.done $0x0  }
0x1b4: {  	[sflag:s18] =	ssyncadd.s32 $0xFFFFC000  }
0x1b5: {  	_ =	swait.ge [sflag:s16], $0x4000  }
0x1b6: {  	[sflag:s16] =	ssyncset.done $0x0  }
0x1b7: {  	[sflag:s16] =	ssyncadd.s32 $0xFFFFC000  }
0x1b8: {  	_ =	swait.ge [sflag:s14], $0x4000  }
0x1b9: {  	[sflag:s14] =	ssyncset.done $0x0  }
0x1ba: {  	[sflag:s14] =	ssyncadd.s32 $0xFFFFC000  }
0x1bb: {  	_ =	swait.ge [sflag:s4], $0x4000  }
0x1bc: {  	[sflag:s4] =	ssyncset.done $0x0  }
0x1bd: {  	[sflag:s4] =	ssyncadd.s32 $0xFFFFC000  }
0x1be: {  	_ =	swait.ge [sflag:s3], $0x4000  }
0x1bf: {  	[sflag:s3] =	ssyncset.done $0x0  }
0x1c0: {  	[sflag:s3] =	ssyncadd.s32 $0xFFFFC000  }
0x1c1: {  	_ =	sfence.sel $0x180000  }
0x1c2: {  	[bflag:$0x0] =	sbarrier.arrive $0xFFFF  }
0x1c3: {  	_ =	strace $0x90000047  }
0x1c4: {  	s31 =	stileid.u32;
	[bflag:$0x2] =	sbarrier.arrive $0xFFFF  }
0x1c5: {  	p0 =	sne.s32 s31, $0x0;
	s0 =	rddreg [dreg:$0x2]  }
0x1c6: {  	s0 =	sadd.s32 @!p0 $0x100000, s0  }
0x1c7: {  	[sflag:s0] =	ssyncadd.tile.s32 @!p0 $0x1;
	_ =	shalt  }
.Lfunc_end2:
_tile_overlayer_lowered:
.L_overlay_start_2:
0x1c8: {  	(tag) =	ssettag $0x2  }
0x1c9: {  	s0 =	rddreg [dreg:$0x0];
	s2 =	stileid.u32  }
0x1ca: {  	s1 =	rddreg [dreg:$0x1];
	p0 =	sne.s32 s2, $0x0  }
0x1cb: {  	s3 =	rddreg [dreg:$0x2];
	[bflag:$0x3] =	sbarrier.arrive $0xFFFF;
	s2 =	simm.s32 @!p0 $0x1C0F  }
0x1cc: {  	[timem:s3], [sflag:s2] =	dma.local @!p0 [hbm:s0], s1  }
0x1cd: {  	s0 =	simm.s32 @!p0 $0xF  }
0x1ce: {  	_ =	swait.ge @!p0 [sflag:s0], s1  }
0x1cf: {  	s1 =	ssub.s32 @!p0 $0x0, s1;
	[sflag:s0] =	ssyncset.done @!p0 $0x0  }
0x1d0: {  	[sflag:s0] =	ssyncadd.s32 @!p0 s1  }
0x1d1: {  	[bflag:$0x3] =	sbarrier.arrive $0xFFFF  }
0x1d2: {  	_ =	shalt  }

</sc_bundles>
